<compile_context>
chip_gen: v7x
topology: tpu7x:2x2x1
jax: 0.10.2.dev20260603
libtpu: 0.0.44.dev20260713+nightly
codegen_flags: <defaults>
</compile_context>

<pallas_src>
import functools

import jax
import jax.numpy as jnp
from jax import lax
from jax.experimental import pallas as pl
from jax.experimental.pallas import tpu as pltpu
from jax.experimental.pallas import tpu_sc as plsc

_N = 10000
_D = 128
_E = 320000
_K = 10
_ALPHA = 0.1

_NC = 2
_NS = 16
_DH = _D // _NC
_CH = 128
_KB = 2
_JPW = 158
_EPAD = _NS * _JPW * _CH
_R = 10240
_ZC = _R // (_NS * _CH)

_mesh = plsc.VectorSubcoreMesh(core_axis_name="c", subcore_axis_name="s")


def _agg_body(h_hbm, src_hbm, dst_hbm, out_hbm,
              src_v, dst_v, rows0_v, rows1_v, zeros_v, wb_v, acc_sh,
              sem0, sem1):
    c = lax.axis_index("c")
    s = lax.axis_index("s")
    base = s * (_ZC * _CH)

    def zfill(i, _):
        for l in range(_DH // 16):
            zeros_v[i, pl.ds(l * 16, 16)] = jnp.zeros((16,), jnp.float32)
        return 0
    lax.fori_loop(0, _CH, zfill, 0)

    def zchunk(i, _):
        pltpu.sync_copy(zeros_v, acc_sh.at[pl.ds(base + i * _CH, _CH)])
        return 0
    lax.fori_loop(0, _ZC, zchunk, 0)

    pltpu.sync_copy(src_hbm.at[s], src_v)
    pltpu.sync_copy(dst_hbm.at[s], dst_v)
    plsc.subcore_barrier()

    rows = (rows0_v, rows1_v)
    sems = (sem0, sem1)
    pltpu.async_copy(h_hbm.at[c].at[src_v.at[0]], rows0_v, sem0)
    pltpu.async_copy(h_hbm.at[c].at[src_v.at[1]], rows1_v, sem1)

    def step(jj, _):
        for b in range(2):
            j = jj * 2 + b
            pltpu.make_async_copy(h_hbm.at[c].at[src_v.at[j]],
                                  rows[b], sems[b]).wait()
            pltpu.sync_copy(rows[b], acc_sh.at[dst_v.at[j]], add=True)

            @pl.when(j + 2 < _JPW)
            def _():
                pltpu.async_copy(h_hbm.at[c].at[src_v.at[j + 2]],
                                 rows[b], sems[b])
        return 0
    lax.fori_loop(0, _JPW // 2, step, 0)
    plsc.subcore_barrier()

    def wchunk(i, _):
        pltpu.sync_copy(acc_sh.at[pl.ds(base + i * _CH, _CH)], wb_v)
        pltpu.sync_copy(wb_v, out_hbm.at[c, pl.ds(base + i * _CH, _CH)])
        return 0
    lax.fori_loop(0, _ZC, wchunk, 0)


_agg_call = functools.partial(
    pl.kernel,
    out_type=jax.ShapeDtypeStruct((_NC, _R, _DH), jnp.float32),
    mesh=_mesh,
    compiler_params=pltpu.CompilerParams(use_tc_tiling_on_sc=False),
    scratch_types=[
        pltpu.VMEM((_JPW, _CH), jnp.int32),
        pltpu.VMEM((_JPW, _CH), jnp.int32),
        pltpu.VMEM((_CH, _DH), jnp.float32),
        pltpu.VMEM((_CH, _DH), jnp.float32),
        pltpu.VMEM((_CH, _DH), jnp.float32),
        pltpu.VMEM((_CH, _DH), jnp.float32),
        pltpu.VMEM_SHARED((_R, _DH), jnp.float32),
        pltpu.SemaphoreType.DMA,
        pltpu.SemaphoreType.DMA,
    ],
)(_agg_body)


_DW = 16


def _cnt_body(src_hbm, dst_hbm, out_hbm,
              src_v, dst_v, ones_v, zeros_v, wb_v, deg_sh):
    c = lax.axis_index("c")
    s = lax.axis_index("s")
    base = s * (_ZC * _CH)

    def fill(i, _):
        ones_v[i, pl.ds(0, _DW)] = jnp.full((_DW,), 1.0, jnp.float32)
        zeros_v[i, pl.ds(0, _DW)] = jnp.zeros((_DW,), jnp.float32)
        return 0
    lax.fori_loop(0, _CH, fill, 0)

    def zchunk(i, _):
        pltpu.sync_copy(zeros_v, deg_sh.at[pl.ds(base + i * _CH, _CH)])
        return 0
    lax.fori_loop(0, _ZC, zchunk, 0)

    pltpu.sync_copy(src_hbm.at[s], src_v)
    pltpu.sync_copy(dst_hbm.at[s], dst_v)
    plsc.subcore_barrier()

    @pl.when(c == 0)
    def _():
        def stepd(j, _):
            pltpu.sync_copy(ones_v, deg_sh.at[dst_v.at[j]], add=True)
            return 0
        lax.fori_loop(0, _JPW, stepd, 0)

    @pl.when(c == 1)
    def _():
        def steps_(j, _):
            pltpu.sync_copy(ones_v, deg_sh.at[src_v.at[j]], add=True)
            return 0
        lax.fori_loop(0, _JPW, steps_, 0)
    plsc.subcore_barrier()

    def wchunk(i, _):
        pltpu.sync_copy(deg_sh.at[pl.ds(base + i * _CH, _CH)], wb_v)
        pltpu.sync_copy(wb_v, out_hbm.at[c, pl.ds(base + i * _CH, _CH)])
        return 0
    lax.fori_loop(0, _ZC, wchunk, 0)


_cnt_call = functools.partial(
    pl.kernel,
    out_type=jax.ShapeDtypeStruct((_NC, _R, _DW), jnp.float32),
    mesh=_mesh,
    compiler_params=pltpu.CompilerParams(use_tc_tiling_on_sc=False),
    scratch_types=[
        pltpu.VMEM((_JPW, _CH), jnp.int32),
        pltpu.VMEM((_JPW, _CH), jnp.int32),
        pltpu.VMEM((_CH, _DW), jnp.float32),
        pltpu.VMEM((_CH, _DW), jnp.float32),
        pltpu.VMEM((_CH, _DW), jnp.float32),
        pltpu.VMEM_SHARED((_R, _DW), jnp.float32),
    ],
)(_cnt_body)


_BLK = 512


def _combine_body(a, av, bv, o):
    o[...] = a[...] * av[...] + bv[...]


def _combine_call(a, av, bv):
    spec = pl.BlockSpec((_NC, _BLK, _DH), lambda i: (0, i, 0))
    return pl.pallas_call(
        _combine_body,
        grid=(_R // _BLK,),
        in_specs=[spec] * 3,
        out_specs=spec,
        out_shape=jax.ShapeDtypeStruct((_NC, _R, _DH), jnp.float32),
    )(a, av, bv)


def _mlp_body(hv, rv, w0, b0, w1, b1, o):
    g = hv[...] * rv[...]
    h = jnp.concatenate([g[0], g[1]], axis=-1)
    z = jnp.maximum(
        jnp.dot(h, w0[...], preferred_element_type=jnp.float32) + b0[...], 0.0)
    o[...] = jnp.dot(z, w1[...], preferred_element_type=jnp.float32) + b1[...]


def _mlp_call(hv, rv, w0, b0, w1, b1):
    H = w0.shape[1]
    P = w1.shape[1]
    return pl.pallas_call(
        _mlp_body,
        grid=(_R // _BLK,),
        in_specs=[
            pl.BlockSpec((_NC, _BLK, _DH), lambda i: (0, i, 0)),
            pl.BlockSpec((_NC, _BLK, _DH), lambda i: (0, i, 0)),
            pl.BlockSpec((_D, H), lambda i: (0, 0)),
            pl.BlockSpec((1, H), lambda i: (0, 0)),
            pl.BlockSpec((H, P), lambda i: (0, 0)),
            pl.BlockSpec((1, P), lambda i: (0, 0)),
        ],
        out_specs=pl.BlockSpec((_BLK, P), lambda i: (i, 0)),
        out_shape=jax.ShapeDtypeStruct((_R, P), jnp.float32),
    )(hv, rv, w0, b0, w1, b1)


def _to_split(m):
    return m.reshape(_R, _NC, _DH).transpose(1, 0, 2)


def kernel(x, edge_index, W0, b0, W1, b1):
    src = edge_index[0].astype(jnp.int32)
    dst = edge_index[1].astype(jnp.int32)
    pad = jnp.full((_EPAD - _E,), _N, jnp.int32)
    src3 = jnp.concatenate([src, pad]).reshape(_NS, _JPW, _CH)
    dst3 = jnp.concatenate([dst, pad]).reshape(_NS, _JPW, _CH)

    dcnt = _cnt_call(src3, dst3)
    deg_in = dcnt[0, :_N, 0]
    deg_out = dcnt[1, :_N, 0]
    in_norm = lax.rsqrt(jnp.maximum(deg_in, 1.0))
    out_norm = lax.rsqrt(jnp.maximum(deg_out, 1.0))

    zpad = jnp.zeros((_R - _N,), jnp.float32)
    opad = jnp.ones((_R - _N,), jnp.float32)
    onp = jnp.concatenate([out_norm, opad])
    inp_ = jnp.concatenate([in_norm, zpad])
    xpad = jnp.pad(x, ((0, _R - _N), (0, 0)))

    scale = (1.0 - _ALPHA)
    av = _to_split(jnp.broadcast_to((scale * onp * inp_)[:, None], (_R, _D)))
    bv = _to_split((_ALPHA * onp)[:, None] * xpad)
    recip = jnp.concatenate([jnp.sqrt(jnp.maximum(deg_out, 1.0)), opad])
    rv = _to_split(jnp.broadcast_to(recip[:, None], (_R, _D)))

    def step(_, h):
        return _combine_call(_agg_call(h, src3, dst3), av, bv)

    h = lax.fori_loop(0, _K, step, _to_split(onp[:, None] * xpad))

    H = W0.shape[1]
    C = W1.shape[1]
    P = 128
    W1p = jnp.pad(W1, ((0, 0), (0, P - C)))
    b1p = jnp.pad(b1, (0, P - C)).reshape(1, P)
    b0r = b0.reshape(1, H)
    logits = _mlp_call(h, rv, W0, b0r, W1p, b1p)
    return logits[:_N, :C]

# --- scband reference (transcript-rebuilt; emitter-appended) ---
"""Pipeline reference for scband-custom-decoupled-appnp-2877628089022 (READ-ONLY COPY).

The authoritative reference and input builder live on the scoring server;
editing this copy changes nothing except your own understanding.
"""

import jax, jax.numpy as jnp
import numpy as np

N = 10000
E = 320000
D = 128
H = 256
C = 10
K = 10
ALPHA = 0.1


def setup_inputs(seed: int = 0) -> dict:
    key = jax.random.key(seed)
    ks = jax.random.split(key, 4)
    x = jax.random.normal(ks[0], (N, D), dtype=jnp.float32)
    edge_index = jax.random.randint(ks[1], (2, E), 0, N)
    W0 = jax.random.normal(ks[2], (D, H), dtype=jnp.float32) * 0.05
    b0 = jnp.zeros((H,), dtype=jnp.float32)
    W1 = jax.random.normal(ks[3], (H, C), dtype=jnp.float32) * 0.05
    b1 = jnp.zeros((C,), dtype=jnp.float32)
    return {"x": x, "edge_index": edge_index, "W0": W0, "b0": b0, "W1": W1, "b1": b1}


def reference(x, edge_index, W0, b0, W1, b1):
    # APPNPConv(k=10, alpha=0.1) with DGL-style symmetric normalization:
    # feat = feat * out_deg^{-1/2}; aggregate sum over edges; feat = feat * in_deg^{-1/2}
    src = edge_index[0]
    dst = edge_index[1]
    ones = jnp.ones((E,), dtype=x.dtype)
    deg_out = jax.ops.segment_sum(ones, src, num_segments=N)
    deg_in = jax.ops.segment_sum(ones, dst, num_segments=N)
    out_norm = jnp.power(jnp.clip(deg_out, 1.0, None), -0.5)
    in_norm = jnp.power(jnp.clip(deg_in, 1.0, None), -0.5)
    h0 = x
    h = x
    for _ in range(K):
        m = (h * out_norm[:, None])[src]
        agg = jax.ops.segment_sum(m, dst, num_segments=N)
        h = (1.0 - ALPHA) * agg * in_norm[:, None] + ALPHA * h0
    # feat_trans MLP (dropout p=0.0 -> identity; eval mode)
    z = jax.nn.relu(h @ W0 + b0)
    logits = z @ W1 + b1
    # original returns (logits, e_list); twp=False so e_list is empty -> return logits
    return logits

if __name__ == "__main__":
    import jax
    _d = setup_inputs()
    print(jax.jit(kernel)(*tuple(_d.values())))

</pallas_src>

<mosaic_0001>
#map = affine_map<(d0, d1) -> (0, 0, 0)>
module attributes {stable_mosaic.version = 14 : i64} {
  func.func @_cnt_body(%arg0: i32, %arg1: i32, %arg2: memref<16x158x128xi32, #tpu.memory_space<hbm>>, %arg3: memref<16x158x128xi32, #tpu.memory_space<hbm>>, %arg4: memref<2x10240x16xf32, #tpu.memory_space<hbm>>, %arg5: memref<158x128xi32, #tpu.memory_space<vmem>>, %arg6: memref<158x128xi32, #tpu.memory_space<vmem>>, %arg7: memref<128x16xf32, #tpu.memory_space<vmem>>, %arg8: memref<128x16xf32, #tpu.memory_space<vmem>>, %arg9: memref<128x16xf32, #tpu.memory_space<vmem>>, %arg10: memref<10240x16xf32, #tpu.memory_space<vmem_shared>>) attributes {dimension_semantics = [#tpu.dimension_semantics<core_parallel>, #tpu.dimension_semantics<subcore_parallel>], iteration_bounds = array<i64: 2, 16>, scalar_prefetch = 0 : i64, scratch_operands = 6 : i64, tpu.core_type = #tpu.core_type<sc_vector_subcore>, window_params = [{transform_indices = #map}, {transform_indices = #map}, {transform_indices = #map}]} {
    %mul3A = arith.constant 640 : i32
    %mul3A_0 = arith.muli %arg1, %mul3A : i32
    %scan3A = arith.constant 0 : i32
    %scan3A_1 = arith.constant 0 : i32
    %scan3A_2 = arith.constant 128 : i32
    %scan3A_3 = arith.addi %scan3A_1, %scan3A_2 : i32
    %scan3A_4 = arith.constant 1 : i32
    %scan3A_5 = scf.for %scan3A_29 = %scan3A_1 to %scan3A_3 step %scan3A_4 iter_args(%scan3A_30 = %scan3A) -> (i32)  : i32 {
      %broadcast_in_dim3A = arith.constant 1.000000e+00 : f32
      %broadcast_in_dim3A_31 = vector.broadcast %broadcast_in_dim3A : f32 to vector<16xf32>
      %swap3A = arith.index_cast %scan3A_29 : i32 to index
      %swap3A_32 = arith.constant 0 : index
      %swap3A_33 = tpu.vector_load %arg7[%swap3A, %swap3A_32] {strides = array<i32>} : memref<128x16xf32, #tpu.memory_space<vmem>>, vector<1x16xf32>,
      %swap3A_34 = vector.shape_cast %swap3A_33 : vector<1x16xf32> to vector<16xf32>
      %swap3A_35 = vector.shape_cast %broadcast_in_dim3A_31 : vector<16xf32> to vector<1x16xf32>
      tpu.vector_store %arg7[%swap3A, %swap3A_32], %swap3A_35 {strides = array<i32>} : memref<128x16xf32, #tpu.memory_space<vmem>>, vector<1x16xf32>,
      %broadcast_in_dim3A_36 = arith.constant 0.000000e+00 : f32
      %broadcast_in_dim3A_37 = vector.broadcast %broadcast_in_dim3A_36 : f32 to vector<16xf32>
      %swap3A_38 = arith.index_cast %scan3A_29 : i32 to index
      %swap3A_39 = arith.constant 0 : index
      %swap3A_40 = tpu.vector_load %arg8[%swap3A_38, %swap3A_39] {strides = array<i32>} : memref<128x16xf32, #tpu.memory_space<vmem>>, vector<1x16xf32>,
      %swap3A_41 = vector.shape_cast %swap3A_40 : vector<1x16xf32> to vector<16xf32>
      %swap3A_42 = vector.shape_cast %broadcast_in_dim3A_37 : vector<16xf32> to vector<1x16xf32>
      tpu.vector_store %arg8[%swap3A_38, %swap3A_39], %swap3A_42 {strides = array<i32>} : memref<128x16xf32, #tpu.memory_space<vmem>>, vector<1x16xf32>,
      %scan3A_43 = arith.constant 0 : i32
      scf.yield %scan3A_43 : i32
    }
    %scan3A_6 = arith.constant 128 : i32
    %scan3A_7 = arith.constant 0 : i32
    %scan3A_8 = arith.constant 0 : i32
    %scan3A_9 = arith.constant 5 : i32
    %scan3A_10 = arith.addi %scan3A_8, %scan3A_9 : i32
    %scan3A_11 = arith.constant 1 : i32
    %scan3A_12 = scf.for %scan3A_29 = %scan3A_8 to %scan3A_10 step %scan3A_11 iter_args(%scan3A_30 = %scan3A_7) -> (i32)  : i32 {
      %mul3A_31 = arith.constant 128 : i32
      %mul3A_32 = arith.muli %scan3A_29, %mul3A_31 : i32
      %add3A = arith.addi %mul3A_0, %mul3A_32 : i32
      "tpu.region"() ({
        %run_scoped3A = tpu.sem_alloc : memref<!tpu.dma_semaphore, #tpu.memory_space<semaphore_mem>>
        %dma_start3A = arith.constant 0 : i32
        %dma_start3A_34 = tpu.memref_slice %arg10[%add3A, %dma_start3A] : memref<10240x16xf32, #tpu.memory_space<vmem_shared>> -> memref<128x16xf32, #tpu.memory_space<vmem_shared>>
        %dma_start3A_35 = arith.constant 0 : i32
        %dma_start3A_36 = tpu.memref_slice %arg10[%add3A, %dma_start3A_35] : memref<10240x16xf32, #tpu.memory_space<vmem_shared>> -> memref<128x16xf32, #tpu.memory_space<vmem_shared>>
        tpu.enqueue_dma source(%arg8 : memref<128x16xf32, #tpu.memory_space<vmem>>) target(%dma_start3A_36 : memref<128x16xf32, #tpu.memory_space<vmem_shared>>) target_semaphore(%run_scoped3A : memref<!tpu.dma_semaphore, #tpu.memory_space<semaphore_mem>>)
        %dma_wait3A = arith.constant 0 : i32
        %dma_wait3A_37 = tpu.memref_slice %arg10[%add3A, %dma_wait3A] : memref<10240x16xf32, #tpu.memory_space<vmem_shared>> -> memref<128x16xf32, #tpu.memory_space<vmem_shared>>
        %dma_wait3A_38 = arith.constant 0 : i32
        %dma_wait3A_39 = tpu.memref_slice %arg10[%add3A, %dma_wait3A_38] : memref<10240x16xf32, #tpu.memory_space<vmem_shared>> -> memref<128x16xf32, #tpu.memory_space<vmem_shared>>
        tpu.wait_dma2 semaphore(%run_scoped3A : memref<!tpu.dma_semaphore, #tpu.memory_space<semaphore_mem>>) src(%arg8 : memref<128x16xf32, #tpu.memory_space<vmem>>) dst(%dma_wait3A_39 : memref<128x16xf32, #tpu.memory_space<vmem_shared>>)
        tpu.yield
      }) : () -> ()
      %scan3A_33 = arith.constant 0 : i32
      scf.yield %scan3A_33 : i32
    }
    %scan3A_13 = arith.constant 5 : i32
    "tpu.region"() ({
      %run_scoped3A = tpu.sem_alloc : memref<!tpu.dma_semaphore, #tpu.memory_space<semaphore_mem>>
      %dma_start3A = arith.constant 0 : i32
      %dma_start3A_29 = arith.constant 0 : i32
      %dma_start3A_30 = tpu.memref_slice %arg2[%arg1, %dma_start3A, %dma_start3A_29] : memref<16x158x128xi32, #tpu.memory_space<hbm>> -> memref<1x158x128xi32, #tpu.memory_space<hbm>>
      %dma_start3A_31 = tpu.memref_squeeze %dma_start3A_30 : memref<1x158x128xi32, #tpu.memory_space<hbm>> -> memref<158x128xi32, #tpu.memory_space<hbm>>
      %dma_start3A_32 = arith.constant 0 : i32
      %dma_start3A_33 = arith.constant 0 : i32
      %dma_start3A_34 = tpu.memref_slice %arg2[%arg1, %dma_start3A_32, %dma_start3A_33] : memref<16x158x128xi32, #tpu.memory_space<hbm>> -> memref<1x158x128xi32, #tpu.memory_space<hbm>>
      %dma_start3A_35 = tpu.memref_squeeze %dma_start3A_34 : memref<1x158x128xi32, #tpu.memory_space<hbm>> -> memref<158x128xi32, #tpu.memory_space<hbm>>
      tpu.enqueue_dma source(%dma_start3A_35 : memref<158x128xi32, #tpu.memory_space<hbm>>) target(%arg5 : memref<158x128xi32, #tpu.memory_space<vmem>>) target_semaphore(%run_scoped3A : memref<!tpu.dma_semaphore, #tpu.memory_space<semaphore_mem>>)
      %dma_wait3A = arith.constant 0 : i32
      %dma_wait3A_36 = arith.constant 0 : i32
      %dma_wait3A_37 = tpu.memref_slice %arg2[%arg1, %dma_wait3A, %dma_wait3A_36] : memref<16x158x128xi32, #tpu.memory_space<hbm>> -> memref<1x158x128xi32, #tpu.memory_space<hbm>>
      %dma_wait3A_38 = tpu.memref_squeeze %dma_wait3A_37 : memref<1x158x128xi32, #tpu.memory_space<hbm>> -> memref<158x128xi32, #tpu.memory_space<hbm>>
      %dma_wait3A_39 = arith.constant 0 : i32
      %dma_wait3A_40 = arith.constant 0 : i32
      %dma_wait3A_41 = tpu.memref_slice %arg2[%arg1, %dma_wait3A_39, %dma_wait3A_40] : memref<16x158x128xi32, #tpu.memory_space<hbm>> -> memref<1x158x128xi32, #tpu.memory_space<hbm>>
      %dma_wait3A_42 = tpu.memref_squeeze %dma_wait3A_41 : memref<1x158x128xi32, #tpu.memory_space<hbm>> -> memref<158x128xi32, #tpu.memory_space<hbm>>
      tpu.wait_dma2 semaphore(%run_scoped3A : memref<!tpu.dma_semaphore, #tpu.memory_space<semaphore_mem>>) src(%dma_wait3A_42 : memref<158x128xi32, #tpu.memory_space<hbm>>) dst(%arg5 : memref<158x128xi32, #tpu.memory_space<vmem>>)
      tpu.yield
    }) : () -> ()
    "tpu.region"() ({
      %run_scoped3A = tpu.sem_alloc : memref<!tpu.dma_semaphore, #tpu.memory_space<semaphore_mem>>
      %dma_start3A = arith.constant 0 : i32
      %dma_start3A_29 = arith.constant 0 : i32
      %dma_start3A_30 = tpu.memref_slice %arg3[%arg1, %dma_start3A, %dma_start3A_29] : memref<16x158x128xi32, #tpu.memory_space<hbm>> -> memref<1x158x128xi32, #tpu.memory_space<hbm>>
      %dma_start3A_31 = tpu.memref_squeeze %dma_start3A_30 : memref<1x158x128xi32, #tpu.memory_space<hbm>> -> memref<158x128xi32, #tpu.memory_space<hbm>>
      %dma_start3A_32 = arith.constant 0 : i32
      %dma_start3A_33 = arith.constant 0 : i32
      %dma_start3A_34 = tpu.memref_slice %arg3[%arg1, %dma_start3A_32, %dma_start3A_33] : memref<16x158x128xi32, #tpu.memory_space<hbm>> -> memref<1x158x128xi32, #tpu.memory_space<hbm>>
      %dma_start3A_35 = tpu.memref_squeeze %dma_start3A_34 : memref<1x158x128xi32, #tpu.memory_space<hbm>> -> memref<158x128xi32, #tpu.memory_space<hbm>>
      tpu.enqueue_dma source(%dma_start3A_35 : memref<158x128xi32, #tpu.memory_space<hbm>>) target(%arg6 : memref<158x128xi32, #tpu.memory_space<vmem>>) target_semaphore(%run_scoped3A : memref<!tpu.dma_semaphore, #tpu.memory_space<semaphore_mem>>)
      %dma_wait3A = arith.constant 0 : i32
      %dma_wait3A_36 = arith.constant 0 : i32
      %dma_wait3A_37 = tpu.memref_slice %arg3[%arg1, %dma_wait3A, %dma_wait3A_36] : memref<16x158x128xi32, #tpu.memory_space<hbm>> -> memref<1x158x128xi32, #tpu.memory_space<hbm>>
      %dma_wait3A_38 = tpu.memref_squeeze %dma_wait3A_37 : memref<1x158x128xi32, #tpu.memory_space<hbm>> -> memref<158x128xi32, #tpu.memory_space<hbm>>
      %dma_wait3A_39 = arith.constant 0 : i32
      %dma_wait3A_40 = arith.constant 0 : i32
      %dma_wait3A_41 = tpu.memref_slice %arg3[%arg1, %dma_wait3A_39, %dma_wait3A_40] : memref<16x158x128xi32, #tpu.memory_space<hbm>> -> memref<1x158x128xi32, #tpu.memory_space<hbm>>
      %dma_wait3A_42 = tpu.memref_squeeze %dma_wait3A_41 : memref<1x158x128xi32, #tpu.memory_space<hbm>> -> memref<158x128xi32, #tpu.memory_space<hbm>>
      tpu.wait_dma2 semaphore(%run_scoped3A : memref<!tpu.dma_semaphore, #tpu.memory_space<semaphore_mem>>) src(%dma_wait3A_42 : memref<158x128xi32, #tpu.memory_space<hbm>>) dst(%arg6 : memref<158x128xi32, #tpu.memory_space<vmem>>)
      tpu.yield
    }) : () -> ()
    %barrier3A = arith.constant 0 : index
    tpu.barrier barrier_id(%barrier3A)
    %eq3A = arith.constant 0 : i32
    %eq3A_14 = arith.cmpi eq, %arg0, %eq3A : i32
    %convert_element_type3A = arith.extui %eq3A_14 : i1 to i32
    %cond3A = arith.constant 0 : i32
    %cond3A_15 = arith.cmpi ne, %convert_element_type3A, %cond3A : i32
    scf.if %cond3A_15 {
      %scan3A_29 = arith.constant 0 : i32
      %scan3A_30 = arith.constant 0 : i32
      %scan3A_31 = arith.constant 158 : i32
      %scan3A_32 = arith.addi %scan3A_30, %scan3A_31 : i32
      %scan3A_33 = arith.constant 1 : i32
      %scan3A_34 = scf.for %scan3A_36 = %scan3A_30 to %scan3A_32 step %scan3A_33 iter_args(%scan3A_37 = %scan3A_29) -> (i32)  : i32 {
        "tpu.region"() ({
          %run_scoped3A = tpu.sem_alloc : memref<!tpu.dma_semaphore, #tpu.memory_space<semaphore_mem>>
          %dma_start3A = arith.constant 0 : i32
          %dma_start3A_39 = tpu.memref_slice %arg6[%scan3A_36, %dma_start3A] : memref<158x128xi32, #tpu.memory_space<vmem>> -> memref<1x128xi32, #tpu.memory_space<vmem>>
          %dma_start3A_40 = tpu.memref_squeeze %dma_start3A_39 : memref<1x128xi32, #tpu.memory_space<vmem>> -> memref<128xi32, #tpu.memory_space<vmem>>
          %dma_start3A_41 = arith.constant 0 : i32
          %dma_start3A_42 = arith.constant 0 : i32
          %dma_start3A_43 = tpu.memref_slice %arg10[%dma_start3A_41, %dma_start3A_42] : memref<10240x16xf32, #tpu.memory_space<vmem_shared>> -> memref<10240x16xf32, #tpu.memory_space<vmem_shared>>
          tpu.enqueue_indirect_dma source(%arg7 : memref<128x16xf32, #tpu.memory_space<vmem>>) target(%dma_start3A_43 : memref<10240x16xf32, #tpu.memory_space<vmem_shared>>) offsets(%dma_start3A_40 : memref<128xi32, #tpu.memory_space<vmem>>) semaphore(%run_scoped3A : memref<!tpu.dma_semaphore, #tpu.memory_space<semaphore_mem>>) {add = true}
          %dma_wait3A = arith.constant 0 : i32
          %dma_wait3A_44 = tpu.memref_slice %arg6[%scan3A_36, %dma_wait3A] : memref<158x128xi32, #tpu.memory_space<vmem>> -> memref<1x128xi32, #tpu.memory_space<vmem>>
          %dma_wait3A_45 = tpu.memref_squeeze %dma_wait3A_44 : memref<1x128xi32, #tpu.memory_space<vmem>> -> memref<128xi32, #tpu.memory_space<vmem>>
          %dma_wait3A_46 = arith.constant 0 : i32
          %dma_wait3A_47 = arith.constant 0 : i32
          %dma_wait3A_48 = tpu.memref_slice %arg10[%dma_wait3A_46, %dma_wait3A_47] : memref<10240x16xf32, #tpu.memory_space<vmem_shared>> -> memref<10240x16xf32, #tpu.memory_space<vmem_shared>>
          tpu.wait_indirect_dma semaphore(%run_scoped3A : memref<!tpu.dma_semaphore, #tpu.memory_space<semaphore_mem>>) src(%arg7 : memref<128x16xf32, #tpu.memory_space<vmem>>) dst(%dma_wait3A_48 : memref<10240x16xf32, #tpu.memory_space<vmem_shared>>)
          tpu.yield
        }) : () -> ()
        %scan3A_38 = arith.constant 0 : i32
        scf.yield %scan3A_38 : i32
      }
      %scan3A_35 = arith.constant 158 : i32
    } else {
    }
    %eq3A_16 = arith.constant 1 : i32
    %eq3A_17 = arith.cmpi eq, %arg0, %eq3A_16 : i32
    %convert_element_type3A_18 = arith.extui %eq3A_17 : i1 to i32
    %cond3A_19 = arith.constant 0 : i32
    %cond3A_20 = arith.cmpi ne, %convert_element_type3A_18, %cond3A_19 : i32
    scf.if %cond3A_20 {
      %scan3A_29 = arith.constant 0 : i32
      %scan3A_30 = arith.constant 0 : i32
      %scan3A_31 = arith.constant 158 : i32
      %scan3A_32 = arith.addi %scan3A_30, %scan3A_31 : i32
      %scan3A_33 = arith.constant 1 : i32
      %scan3A_34 = scf.for %scan3A_36 = %scan3A_30 to %scan3A_32 step %scan3A_33 iter_args(%scan3A_37 = %scan3A_29) -> (i32)  : i32 {
        "tpu.region"() ({
          %run_scoped3A = tpu.sem_alloc : memref<!tpu.dma_semaphore, #tpu.memory_space<semaphore_mem>>
          %dma_start3A = arith.constant 0 : i32
          %dma_start3A_39 = tpu.memref_slice %arg5[%scan3A_36, %dma_start3A] : memref<158x128xi32, #tpu.memory_space<vmem>> -> memref<1x128xi32, #tpu.memory_space<vmem>>
          %dma_start3A_40 = tpu.memref_squeeze %dma_start3A_39 : memref<1x128xi32, #tpu.memory_space<vmem>> -> memref<128xi32, #tpu.memory_space<vmem>>
          %dma_start3A_41 = arith.constant 0 : i32
          %dma_start3A_42 = arith.constant 0 : i32
          %dma_start3A_43 = tpu.memref_slice %arg10[%dma_start3A_41, %dma_start3A_42] : memref<10240x16xf32, #tpu.memory_space<vmem_shared>> -> memref<10240x16xf32, #tpu.memory_space<vmem_shared>>
          tpu.enqueue_indirect_dma source(%arg7 : memref<128x16xf32, #tpu.memory_space<vmem>>) target(%dma_start3A_43 : memref<10240x16xf32, #tpu.memory_space<vmem_shared>>) offsets(%dma_start3A_40 : memref<128xi32, #tpu.memory_space<vmem>>) semaphore(%run_scoped3A : memref<!tpu.dma_semaphore, #tpu.memory_space<semaphore_mem>>) {add = true}
          %dma_wait3A = arith.constant 0 : i32
          %dma_wait3A_44 = tpu.memref_slice %arg5[%scan3A_36, %dma_wait3A] : memref<158x128xi32, #tpu.memory_space<vmem>> -> memref<1x128xi32, #tpu.memory_space<vmem>>
          %dma_wait3A_45 = tpu.memref_squeeze %dma_wait3A_44 : memref<1x128xi32, #tpu.memory_space<vmem>> -> memref<128xi32, #tpu.memory_space<vmem>>
          %dma_wait3A_46 = arith.constant 0 : i32
          %dma_wait3A_47 = arith.constant 0 : i32
          %dma_wait3A_48 = tpu.memref_slice %arg10[%dma_wait3A_46, %dma_wait3A_47] : memref<10240x16xf32, #tpu.memory_space<vmem_shared>> -> memref<10240x16xf32, #tpu.memory_space<vmem_shared>>
          tpu.wait_indirect_dma semaphore(%run_scoped3A : memref<!tpu.dma_semaphore, #tpu.memory_space<semaphore_mem>>) src(%arg7 : memref<128x16xf32, #tpu.memory_space<vmem>>) dst(%dma_wait3A_48 : memref<10240x16xf32, #tpu.memory_space<vmem_shared>>)
          tpu.yield
        }) : () -> ()
        %scan3A_38 = arith.constant 0 : i32
        scf.yield %scan3A_38 : i32
      }
      %scan3A_35 = arith.constant 158 : i32
    } else {
    }
    %barrier3A_21 = arith.constant 0 : index
    tpu.barrier barrier_id(%barrier3A_21)
    %scan3A_22 = arith.constant 0 : i32
    %scan3A_23 = arith.constant 0 : i32
    %scan3A_24 = arith.constant 5 : i32
    %scan3A_25 = arith.addi %scan3A_23, %scan3A_24 : i32
    %scan3A_26 = arith.constant 1 : i32
    %scan3A_27 = scf.for %scan3A_29 = %scan3A_23 to %scan3A_25 step %scan3A_26 iter_args(%scan3A_30 = %scan3A_22) -> (i32)  : i32 {
      %mul3A_31 = arith.constant 128 : i32
      %mul3A_32 = arith.muli %scan3A_29, %mul3A_31 : i32
      %add3A = arith.addi %mul3A_0, %mul3A_32 : i32
      "tpu.region"() ({
        %run_scoped3A = tpu.sem_alloc : memref<!tpu.dma_semaphore, #tpu.memory_space<semaphore_mem>>
        %dma_start3A = arith.constant 0 : i32
        %dma_start3A_37 = tpu.memref_slice %arg10[%add3A, %dma_start3A] : memref<10240x16xf32, #tpu.memory_space<vmem_shared>> -> memref<128x16xf32, #tpu.memory_space<vmem_shared>>
        %dma_start3A_38 = arith.constant 0 : i32
        %dma_start3A_39 = tpu.memref_slice %arg10[%add3A, %dma_start3A_38] : memref<10240x16xf32, #tpu.memory_space<vmem_shared>> -> memref<128x16xf32, #tpu.memory_space<vmem_shared>>
        tpu.enqueue_dma source(%dma_start3A_39 : memref<128x16xf32, #tpu.memory_space<vmem_shared>>) target(%arg9 : memref<128x16xf32, #tpu.memory_space<vmem>>) target_semaphore(%run_scoped3A : memref<!tpu.dma_semaphore, #tpu.memory_space<semaphore_mem>>)
        %dma_wait3A = arith.constant 0 : i32
        %dma_wait3A_40 = tpu.memref_slice %arg10[%add3A, %dma_wait3A] : memref<10240x16xf32, #tpu.memory_space<vmem_shared>> -> memref<128x16xf32, #tpu.memory_space<vmem_shared>>
        %dma_wait3A_41 = arith.constant 0 : i32
        %dma_wait3A_42 = tpu.memref_slice %arg10[%add3A, %dma_wait3A_41] : memref<10240x16xf32, #tpu.memory_space<vmem_shared>> -> memref<128x16xf32, #tpu.memory_space<vmem_shared>>
        tpu.wait_dma2 semaphore(%run_scoped3A : memref<!tpu.dma_semaphore, #tpu.memory_space<semaphore_mem>>) src(%dma_wait3A_42 : memref<128x16xf32, #tpu.memory_space<vmem_shared>>) dst(%arg9 : memref<128x16xf32, #tpu.memory_space<vmem>>)
        tpu.yield
      }) : () -> ()
      %mul3A_33 = arith.constant 128 : i32
      %mul3A_34 = arith.muli %scan3A_29, %mul3A_33 : i32
      %add3A_35 = arith.addi %mul3A_0, %mul3A_34 : i32
      "tpu.region"() ({
        %run_scoped3A = tpu.sem_alloc : memref<!tpu.dma_semaphore, #tpu.memory_space<semaphore_mem>>
        %dma_start3A = arith.constant 0 : i32
        %dma_start3A_37 = tpu.memref_slice %arg4[%arg0, %add3A_35, %dma_start3A] : memref<2x10240x16xf32, #tpu.memory_space<hbm>> -> memref<1x128x16xf32, #tpu.memory_space<hbm>>
        %dma_start3A_38 = tpu.memref_squeeze %dma_start3A_37 : memref<1x128x16xf32, #tpu.memory_space<hbm>> -> memref<128x16xf32, #tpu.memory_space<hbm>>
        %dma_start3A_39 = arith.constant 0 : i32
        %dma_start3A_40 = tpu.memref_slice %arg4[%arg0, %add3A_35, %dma_start3A_39] : memref<2x10240x16xf32, #tpu.memory_space<hbm>> -> memref<1x128x16xf32, #tpu.memory_space<hbm>>
        %dma_start3A_41 = tpu.memref_squeeze %dma_start3A_40 : memref<1x128x16xf32, #tpu.memory_space<hbm>> -> memref<128x16xf32, #tpu.memory_space<hbm>>
        tpu.enqueue_dma source(%arg9 : memref<128x16xf32, #tpu.memory_space<vmem>>) target(%dma_start3A_41 : memref<128x16xf32, #tpu.memory_space<hbm>>) target_semaphore(%run_scoped3A : memref<!tpu.dma_semaphore, #tpu.memory_space<semaphore_mem>>)
        %dma_wait3A = arith.constant 0 : i32
        %dma_wait3A_42 = tpu.memref_slice %arg4[%arg0, %add3A_35, %dma_wait3A] : memref<2x10240x16xf32, #tpu.memory_space<hbm>> -> memref<1x128x16xf32, #tpu.memory_space<hbm>>
        %dma_wait3A_43 = tpu.memref_squeeze %dma_wait3A_42 : memref<1x128x16xf32, #tpu.memory_space<hbm>> -> memref<128x16xf32, #tpu.memory_space<hbm>>
        %dma_wait3A_44 = arith.constant 0 : i32
        %dma_wait3A_45 = tpu.memref_slice %arg4[%arg0, %add3A_35, %dma_wait3A_44] : memref<2x10240x16xf32, #tpu.memory_space<hbm>> -> memref<1x128x16xf32, #tpu.memory_space<hbm>>
        %dma_wait3A_46 = tpu.memref_squeeze %dma_wait3A_45 : memref<1x128x16xf32, #tpu.memory_space<hbm>> -> memref<128x16xf32, #tpu.memory_space<hbm>>
        tpu.wait_dma2 semaphore(%run_scoped3A : memref<!tpu.dma_semaphore, #tpu.memory_space<semaphore_mem>>) src(%arg9 : memref<128x16xf32, #tpu.memory_space<vmem>>) dst(%dma_wait3A_46 : memref<128x16xf32, #tpu.memory_space<hbm>>)
        tpu.yield
      }) : () -> ()
      %scan3A_36 = arith.constant 0 : i32
      scf.yield %scan3A_36 : i32
    }
    %scan3A_28 = arith.constant 5 : i32
    return
  }
}

#map = affine_map<(d0, d1) -> (0, 0, 0)>
module attributes {stable_mosaic.version = 14 : i64} {
  func.func @_agg_body(%arg0: i32, %arg1: i32, %arg2: memref<2x10240x64xf32, #tpu.memory_space<hbm>>, %arg3: memref<16x158x128xi32, #tpu.memory_space<hbm>>, %arg4: memref<16x158x128xi32, #tpu.memory_space<hbm>>, %arg5: memref<2x10240x64xf32, #tpu.memory_space<hbm>>, %arg6: memref<158x128xi32, #tpu.memory_space<vmem>>, %arg7: memref<158x128xi32, #tpu.memory_space<vmem>>, %arg8: memref<128x64xf32, #tpu.memory_space<vmem>>, %arg9: memref<128x64xf32, #tpu.memory_space<vmem>>, %arg10: memref<128x64xf32, #tpu.memory_space<vmem>>, %arg11: memref<128x64xf32, #tpu.memory_space<vmem>>, %arg12: memref<10240x64xf32, #tpu.memory_space<vmem_shared>>, %arg13: memref<!tpu.dma_semaphore, #tpu.memory_space<semaphore_mem>>, %arg14: memref<!tpu.dma_semaphore, #tpu.memory_space<semaphore_mem>>) attributes {dimension_semantics = [#tpu.dimension_semantics<core_parallel>, #tpu.dimension_semantics<subcore_parallel>], iteration_bounds = array<i64: 2, 16>, scalar_prefetch = 0 : i64, scratch_operands = 9 : i64, tpu.core_type = #tpu.core_type<sc_vector_subcore>, window_params = [{transform_indices = #map}, {transform_indices = #map}, {transform_indices = #map}, {transform_indices = #map}]} {
    %mul3A = arith.constant 640 : i32
    %mul3A_0 = arith.muli %arg1, %mul3A : i32
    %scan3A = arith.constant 0 : i32
    %scan3A_1 = arith.constant 0 : i32
    %scan3A_2 = arith.constant 128 : i32
    %scan3A_3 = arith.addi %scan3A_1, %scan3A_2 : i32
    %scan3A_4 = arith.constant 1 : i32
    %scan3A_5 = scf.for %scan3A_50 = %scan3A_1 to %scan3A_3 step %scan3A_4 iter_args(%scan3A_51 = %scan3A) -> (i32)  : i32 {
      %broadcast_in_dim3A = arith.constant 0.000000e+00 : f32
      %broadcast_in_dim3A_52 = vector.broadcast %broadcast_in_dim3A : f32 to vector<16xf32>
      %swap3A = arith.index_cast %scan3A_50 : i32 to index
      %swap3A_53 = arith.constant 0 : index
      %swap3A_54 = tpu.vector_load %arg10[%swap3A, %swap3A_53] {strides = array<i32>} : memref<128x64xf32, #tpu.memory_space<vmem>>, vector<1x16xf32>,
      %swap3A_55 = vector.shape_cast %swap3A_54 : vector<1x16xf32> to vector<16xf32>
      %swap3A_56 = vector.shape_cast %broadcast_in_dim3A_52 : vector<16xf32> to vector<1x16xf32>
      tpu.vector_store %arg10[%swap3A, %swap3A_53], %swap3A_56 {strides = array<i32>} : memref<128x64xf32, #tpu.memory_space<vmem>>, vector<1x16xf32>,
      %broadcast_in_dim3A_57 = arith.constant 0.000000e+00 : f32
      %broadcast_in_dim3A_58 = vector.broadcast %broadcast_in_dim3A_57 : f32 to vector<16xf32>
      %swap3A_59 = arith.index_cast %scan3A_50 : i32 to index
      %swap3A_60 = arith.constant 16 : index
      %swap3A_61 = tpu.vector_load %arg10[%swap3A_59, %swap3A_60] {strides = array<i32>} : memref<128x64xf32, #tpu.memory_space<vmem>>, vector<1x16xf32>,
      %swap3A_62 = vector.shape_cast %swap3A_61 : vector<1x16xf32> to vector<16xf32>
      %swap3A_63 = vector.shape_cast %broadcast_in_dim3A_58 : vector<16xf32> to vector<1x16xf32>
      tpu.vector_store %arg10[%swap3A_59, %swap3A_60], %swap3A_63 {strides = array<i32>} : memref<128x64xf32, #tpu.memory_space<vmem>>, vector<1x16xf32>,
      %broadcast_in_dim3A_64 = arith.constant 0.000000e+00 : f32
      %broadcast_in_dim3A_65 = vector.broadcast %broadcast_in_dim3A_64 : f32 to vector<16xf32>
      %swap3A_66 = arith.index_cast %scan3A_50 : i32 to index
      %swap3A_67 = arith.constant 32 : index
      %swap3A_68 = tpu.vector_load %arg10[%swap3A_66, %swap3A_67] {strides = array<i32>} : memref<128x64xf32, #tpu.memory_space<vmem>>, vector<1x16xf32>,
      %swap3A_69 = vector.shape_cast %swap3A_68 : vector<1x16xf32> to vector<16xf32>
      %swap3A_70 = vector.shape_cast %broadcast_in_dim3A_65 : vector<16xf32> to vector<1x16xf32>
      tpu.vector_store %arg10[%swap3A_66, %swap3A_67], %swap3A_70 {strides = array<i32>} : memref<128x64xf32, #tpu.memory_space<vmem>>, vector<1x16xf32>,
      %broadcast_in_dim3A_71 = arith.constant 0.000000e+00 : f32
      %broadcast_in_dim3A_72 = vector.broadcast %broadcast_in_dim3A_71 : f32 to vector<16xf32>
      %swap3A_73 = arith.index_cast %scan3A_50 : i32 to index
      %swap3A_74 = arith.constant 48 : index
      %swap3A_75 = tpu.vector_load %arg10[%swap3A_73, %swap3A_74] {strides = array<i32>} : memref<128x64xf32, #tpu.memory_space<vmem>>, vector<1x16xf32>,
      %swap3A_76 = vector.shape_cast %swap3A_75 : vector<1x16xf32> to vector<16xf32>
      %swap3A_77 = vector.shape_cast %broadcast_in_dim3A_72 : vector<16xf32> to vector<1x16xf32>
      tpu.vector_store %arg10[%swap3A_73, %swap3A_74], %swap3A_77 {strides = array<i32>} : memref<128x64xf32, #tpu.memory_space<vmem>>, vector<1x16xf32>,
      %scan3A_78 = arith.constant 0 : i32
      scf.yield %scan3A_78 : i32
    }
    %scan3A_6 = arith.constant 128 : i32
    %scan3A_7 = arith.constant 0 : i32
    %scan3A_8 = arith.constant 0 : i32
    %scan3A_9 = arith.constant 5 : i32
    %scan3A_10 = arith.addi %scan3A_8, %scan3A_9 : i32
    %scan3A_11 = arith.constant 1 : i32
    %scan3A_12 = scf.for %scan3A_50 = %scan3A_8 to %scan3A_10 step %scan3A_11 iter_args(%scan3A_51 = %scan3A_7) -> (i32)  : i32 {
      %mul3A_52 = arith.constant 128 : i32
      %mul3A_53 = arith.muli %scan3A_50, %mul3A_52 : i32
      %add3A = arith.addi %mul3A_0, %mul3A_53 : i32
      "tpu.region"() ({
        %run_scoped3A = tpu.sem_alloc : memref<!tpu.dma_semaphore, #tpu.memory_space<semaphore_mem>>
        %dma_start3A_55 = arith.constant 0 : i32
        %dma_start3A_56 = tpu.memref_slice %arg12[%add3A, %dma_start3A_55] : memref<10240x64xf32, #tpu.memory_space<vmem_shared>> -> memref<128x64xf32, #tpu.memory_space<vmem_shared>>
        %dma_start3A_57 = arith.constant 0 : i32
        %dma_start3A_58 = tpu.memref_slice %arg12[%add3A, %dma_start3A_57] : memref<10240x64xf32, #tpu.memory_space<vmem_shared>> -> memref<128x64xf32, #tpu.memory_space<vmem_shared>>
        tpu.enqueue_dma source(%arg10 : memref<128x64xf32, #tpu.memory_space<vmem>>) target(%dma_start3A_58 : memref<128x64xf32, #tpu.memory_space<vmem_shared>>) target_semaphore(%run_scoped3A : memref<!tpu.dma_semaphore, #tpu.memory_space<semaphore_mem>>)
        %dma_wait3A = arith.constant 0 : i32
        %dma_wait3A_59 = tpu.memref_slice %arg12[%add3A, %dma_wait3A] : memref<10240x64xf32, #tpu.memory_space<vmem_shared>> -> memref<128x64xf32, #tpu.memory_space<vmem_shared>>
        %dma_wait3A_60 = arith.constant 0 : i32
        %dma_wait3A_61 = tpu.memref_slice %arg12[%add3A, %dma_wait3A_60] : memref<10240x64xf32, #tpu.memory_space<vmem_shared>> -> memref<128x64xf32, #tpu.memory_space<vmem_shared>>
        tpu.wait_dma2 semaphore(%run_scoped3A : memref<!tpu.dma_semaphore, #tpu.memory_space<semaphore_mem>>) src(%arg10 : memref<128x64xf32, #tpu.memory_space<vmem>>) dst(%dma_wait3A_61 : memref<128x64xf32, #tpu.memory_space<vmem_shared>>)
        tpu.yield
      }) : () -> ()
      %scan3A_54 = arith.constant 0 : i32
      scf.yield %scan3A_54 : i32
    }
    %scan3A_13 = arith.constant 5 : i32
    "tpu.region"() ({
      %run_scoped3A = tpu.sem_alloc : memref<!tpu.dma_semaphore, #tpu.memory_space<semaphore_mem>>
      %dma_start3A_50 = arith.constant 0 : i32
      %dma_start3A_51 = arith.constant 0 : i32
      %dma_start3A_52 = tpu.memref_slice %arg3[%arg1, %dma_start3A_50, %dma_start3A_51] : memref<16x158x128xi32, #tpu.memory_space<hbm>> -> memref<1x158x128xi32, #tpu.memory_space<hbm>>
      %dma_start3A_53 = tpu.memref_squeeze %dma_start3A_52 : memref<1x158x128xi32, #tpu.memory_space<hbm>> -> memref<158x128xi32, #tpu.memory_space<hbm>>
      %dma_start3A_54 = arith.constant 0 : i32
      %dma_start3A_55 = arith.constant 0 : i32
      %dma_start3A_56 = tpu.memref_slice %arg3[%arg1, %dma_start3A_54, %dma_start3A_55] : memref<16x158x128xi32, #tpu.memory_space<hbm>> -> memref<1x158x128xi32, #tpu.memory_space<hbm>>
      %dma_start3A_57 = tpu.memref_squeeze %dma_start3A_56 : memref<1x158x128xi32, #tpu.memory_space<hbm>> -> memref<158x128xi32, #tpu.memory_space<hbm>>
      tpu.enqueue_dma source(%dma_start3A_57 : memref<158x128xi32, #tpu.memory_space<hbm>>) target(%arg6 : memref<158x128xi32, #tpu.memory_space<vmem>>) target_semaphore(%run_scoped3A : memref<!tpu.dma_semaphore, #tpu.memory_space<semaphore_mem>>)
      %dma_wait3A = arith.constant 0 : i32
      %dma_wait3A_58 = arith.constant 0 : i32
      %dma_wait3A_59 = tpu.memref_slice %arg3[%arg1, %dma_wait3A, %dma_wait3A_58] : memref<16x158x128xi32, #tpu.memory_space<hbm>> -> memref<1x158x128xi32, #tpu.memory_space<hbm>>
      %dma_wait3A_60 = tpu.memref_squeeze %dma_wait3A_59 : memref<1x158x128xi32, #tpu.memory_space<hbm>> -> memref<158x128xi32, #tpu.memory_space<hbm>>
      %dma_wait3A_61 = arith.constant 0 : i32
      %dma_wait3A_62 = arith.constant 0 : i32
      %dma_wait3A_63 = tpu.memref_slice %arg3[%arg1, %dma_wait3A_61, %dma_wait3A_62] : memref<16x158x128xi32, #tpu.memory_space<hbm>> -> memref<1x158x128xi32, #tpu.memory_space<hbm>>
      %dma_wait3A_64 = tpu.memref_squeeze %dma_wait3A_63 : memref<1x158x128xi32, #tpu.memory_space<hbm>> -> memref<158x128xi32, #tpu.memory_space<hbm>>
      tpu.wait_dma2 semaphore(%run_scoped3A : memref<!tpu.dma_semaphore, #tpu.memory_space<semaphore_mem>>) src(%dma_wait3A_64 : memref<158x128xi32, #tpu.memory_space<hbm>>) dst(%arg6 : memref<158x128xi32, #tpu.memory_space<vmem>>)
      tpu.yield
    }) : () -> ()
    "tpu.region"() ({
      %run_scoped3A = tpu.sem_alloc : memref<!tpu.dma_semaphore, #tpu.memory_space<semaphore_mem>>
      %dma_start3A_50 = arith.constant 0 : i32
      %dma_start3A_51 = arith.constant 0 : i32
      %dma_start3A_52 = tpu.memref_slice %arg4[%arg1, %dma_start3A_50, %dma_start3A_51] : memref<16x158x128xi32, #tpu.memory_space<hbm>> -> memref<1x158x128xi32, #tpu.memory_space<hbm>>
      %dma_start3A_53 = tpu.memref_squeeze %dma_start3A_52 : memref<1x158x128xi32, #tpu.memory_space<hbm>> -> memref<158x128xi32, #tpu.memory_space<hbm>>
      %dma_start3A_54 = arith.constant 0 : i32
      %dma_start3A_55 = arith.constant 0 : i32
      %dma_start3A_56 = tpu.memref_slice %arg4[%arg1, %dma_start3A_54, %dma_start3A_55] : memref<16x158x128xi32, #tpu.memory_space<hbm>> -> memref<1x158x128xi32, #tpu.memory_space<hbm>>
      %dma_start3A_57 = tpu.memref_squeeze %dma_start3A_56 : memref<1x158x128xi32, #tpu.memory_space<hbm>> -> memref<158x128xi32, #tpu.memory_space<hbm>>
      tpu.enqueue_dma source(%dma_start3A_57 : memref<158x128xi32, #tpu.memory_space<hbm>>) target(%arg7 : memref<158x128xi32, #tpu.memory_space<vmem>>) target_semaphore(%run_scoped3A : memref<!tpu.dma_semaphore, #tpu.memory_space<semaphore_mem>>)
      %dma_wait3A = arith.constant 0 : i32
      %dma_wait3A_58 = arith.constant 0 : i32
      %dma_wait3A_59 = tpu.memref_slice %arg4[%arg1, %dma_wait3A, %dma_wait3A_58] : memref<16x158x128xi32, #tpu.memory_space<hbm>> -> memref<1x158x128xi32, #tpu.memory_space<hbm>>
      %dma_wait3A_60 = tpu.memref_squeeze %dma_wait3A_59 : memref<1x158x128xi32, #tpu.memory_space<hbm>> -> memref<158x128xi32, #tpu.memory_space<hbm>>
      %dma_wait3A_61 = arith.constant 0 : i32
      %dma_wait3A_62 = arith.constant 0 : i32
      %dma_wait3A_63 = tpu.memref_slice %arg4[%arg1, %dma_wait3A_61, %dma_wait3A_62] : memref<16x158x128xi32, #tpu.memory_space<hbm>> -> memref<1x158x128xi32, #tpu.memory_space<hbm>>
      %dma_wait3A_64 = tpu.memref_squeeze %dma_wait3A_63 : memref<1x158x128xi32, #tpu.memory_space<hbm>> -> memref<158x128xi32, #tpu.memory_space<hbm>>
      tpu.wait_dma2 semaphore(%run_scoped3A : memref<!tpu.dma_semaphore, #tpu.memory_space<semaphore_mem>>) src(%dma_wait3A_64 : memref<158x128xi32, #tpu.memory_space<hbm>>) dst(%arg7 : memref<158x128xi32, #tpu.memory_space<vmem>>)
      tpu.yield
    }) : () -> ()
    %barrier3A = arith.constant 0 : index
    tpu.barrier barrier_id(%barrier3A)
    %dma_start3A = arith.constant 0 : i32
    %dma_start3A_14 = arith.constant 0 : i32
    %dma_start3A_15 = tpu.memref_slice %arg6[%dma_start3A, %dma_start3A_14] : memref<158x128xi32, #tpu.memory_space<vmem>> -> memref<1x128xi32, #tpu.memory_space<vmem>>
    %dma_start3A_16 = tpu.memref_squeeze %dma_start3A_15 : memref<1x128xi32, #tpu.memory_space<vmem>> -> memref<128xi32, #tpu.memory_space<vmem>>
    %dma_start3A_17 = arith.constant 0 : i32
    %dma_start3A_18 = arith.constant 0 : i32
    %dma_start3A_19 = tpu.memref_slice %arg2[%arg0, %dma_start3A_17, %dma_start3A_18] : memref<2x10240x64xf32, #tpu.memory_space<hbm>> -> memref<1x10240x64xf32, #tpu.memory_space<hbm>>
    %dma_start3A_20 = tpu.memref_squeeze %dma_start3A_19 : memref<1x10240x64xf32, #tpu.memory_space<hbm>> -> memref<10240x64xf32, #tpu.memory_space<hbm>>
    %dma_start3A_21 = arith.constant 0 : i32
    %dma_start3A_22 = arith.constant 0 : i32
    %dma_start3A_23 = tpu.memref_slice %dma_start3A_20[%dma_start3A_21, %dma_start3A_22] : memref<10240x64xf32, #tpu.memory_space<hbm>> -> memref<10240x64xf32, #tpu.memory_space<hbm>>
    tpu.enqueue_indirect_dma source(%dma_start3A_23 : memref<10240x64xf32, #tpu.memory_space<hbm>>) target(%arg8 : memref<128x64xf32, #tpu.memory_space<vmem>>) offsets(%dma_start3A_16 : memref<128xi32, #tpu.memory_space<vmem>>) semaphore(%arg13 : memref<!tpu.dma_semaphore, #tpu.memory_space<semaphore_mem>>)
    %dma_start3A_24 = arith.constant 1 : i32
    %dma_start3A_25 = arith.constant 0 : i32
    %dma_start3A_26 = tpu.memref_slice %arg6[%dma_start3A_24, %dma_start3A_25] : memref<158x128xi32, #tpu.memory_space<vmem>> -> memref<1x128xi32, #tpu.memory_space<vmem>>
    %dma_start3A_27 = tpu.memref_squeeze %dma_start3A_26 : memref<1x128xi32, #tpu.memory_space<vmem>> -> memref<128xi32, #tpu.memory_space<vmem>>
    %dma_start3A_28 = arith.constant 0 : i32
    %dma_start3A_29 = arith.constant 0 : i32
    %dma_start3A_30 = tpu.memref_slice %arg2[%arg0, %dma_start3A_28, %dma_start3A_29] : memref<2x10240x64xf32, #tpu.memory_space<hbm>> -> memref<1x10240x64xf32, #tpu.memory_space<hbm>>
    %dma_start3A_31 = tpu.memref_squeeze %dma_start3A_30 : memref<1x10240x64xf32, #tpu.memory_space<hbm>> -> memref<10240x64xf32, #tpu.memory_space<hbm>>
    %dma_start3A_32 = arith.constant 0 : i32
    %dma_start3A_33 = arith.constant 0 : i32
    %dma_start3A_34 = tpu.memref_slice %dma_start3A_31[%dma_start3A_32, %dma_start3A_33] : memref<10240x64xf32, #tpu.memory_space<hbm>> -> memref<10240x64xf32, #tpu.memory_space<hbm>>
    tpu.enqueue_indirect_dma source(%dma_start3A_34 : memref<10240x64xf32, #tpu.memory_space<hbm>>) target(%arg9 : memref<128x64xf32, #tpu.memory_space<vmem>>) offsets(%dma_start3A_27 : memref<128xi32, #tpu.memory_space<vmem>>) semaphore(%arg14 : memref<!tpu.dma_semaphore, #tpu.memory_space<semaphore_mem>>)
    %scan3A_35 = arith.constant 0 : i32
    %scan3A_36 = arith.constant 0 : i32
    %scan3A_37 = arith.constant 79 : i32
    %scan3A_38 = arith.addi %scan3A_36, %scan3A_37 : i32
    %scan3A_39 = arith.constant 1 : i32
    %scan3A_40 = scf.for %scan3A_50 = %scan3A_36 to %scan3A_38 step %scan3A_39 iter_args(%scan3A_51 = %scan3A_35) -> (i32)  : i32 {
      %mul3A_52 = arith.constant 2 : i32
      %mul3A_53 = arith.muli %scan3A_50, %mul3A_52 : i32
      %add3A = arith.constant 0 : i32
      %add3A_54 = arith.addi %mul3A_53, %add3A : i32
      %dma_wait3A = arith.constant 0 : i32
      %dma_wait3A_55 = tpu.memref_slice %arg6[%add3A_54, %dma_wait3A] : memref<158x128xi32, #tpu.memory_space<vmem>> -> memref<1x128xi32, #tpu.memory_space<vmem>>
      %dma_wait3A_56 = tpu.memref_squeeze %dma_wait3A_55 : memref<1x128xi32, #tpu.memory_space<vmem>> -> memref<128xi32, #tpu.memory_space<vmem>>
      %dma_wait3A_57 = arith.constant 0 : i32
      %dma_wait3A_58 = arith.constant 0 : i32
      %dma_wait3A_59 = tpu.memref_slice %arg2[%arg0, %dma_wait3A_57, %dma_wait3A_58] : memref<2x10240x64xf32, #tpu.memory_space<hbm>> -> memref<1x10240x64xf32, #tpu.memory_space<hbm>>
      %dma_wait3A_60 = tpu.memref_squeeze %dma_wait3A_59 : memref<1x10240x64xf32, #tpu.memory_space<hbm>> -> memref<10240x64xf32, #tpu.memory_space<hbm>>
      %dma_wait3A_61 = arith.constant 0 : i32
      %dma_wait3A_62 = arith.constant 0 : i32
      %dma_wait3A_63 = tpu.memref_slice %dma_wait3A_60[%dma_wait3A_61, %dma_wait3A_62] : memref<10240x64xf32, #tpu.memory_space<hbm>> -> memref<10240x64xf32, #tpu.memory_space<hbm>>
      tpu.wait_indirect_dma semaphore(%arg13 : memref<!tpu.dma_semaphore, #tpu.memory_space<semaphore_mem>>) src(%dma_wait3A_63 : memref<10240x64xf32, #tpu.memory_space<hbm>>) dst(%arg8 : memref<128x64xf32, #tpu.memory_space<vmem>>)
      "tpu.region"() ({
        %run_scoped3A = tpu.sem_alloc : memref<!tpu.dma_semaphore, #tpu.memory_space<semaphore_mem>>
        %dma_start3A_90 = arith.constant 0 : i32
        %dma_start3A_91 = tpu.memref_slice %arg7[%add3A_54, %dma_start3A_90] : memref<158x128xi32, #tpu.memory_space<vmem>> -> memref<1x128xi32, #tpu.memory_space<vmem>>
        %dma_start3A_92 = tpu.memref_squeeze %dma_start3A_91 : memref<1x128xi32, #tpu.memory_space<vmem>> -> memref<128xi32, #tpu.memory_space<vmem>>
        %dma_start3A_93 = arith.constant 0 : i32
        %dma_start3A_94 = arith.constant 0 : i32
        %dma_start3A_95 = tpu.memref_slice %arg12[%dma_start3A_93, %dma_start3A_94] : memref<10240x64xf32, #tpu.memory_space<vmem_shared>> -> memref<10240x64xf32, #tpu.memory_space<vmem_shared>>
        tpu.enqueue_indirect_dma source(%arg8 : memref<128x64xf32, #tpu.memory_space<vmem>>) target(%dma_start3A_95 : memref<10240x64xf32, #tpu.memory_space<vmem_shared>>) offsets(%dma_start3A_92 : memref<128xi32, #tpu.memory_space<vmem>>) semaphore(%run_scoped3A : memref<!tpu.dma_semaphore, #tpu.memory_space<semaphore_mem>>) {add = true}
        %dma_wait3A_96 = arith.constant 0 : i32
        %dma_wait3A_97 = tpu.memref_slice %arg7[%add3A_54, %dma_wait3A_96] : memref<158x128xi32, #tpu.memory_space<vmem>> -> memref<1x128xi32, #tpu.memory_space<vmem>>
        %dma_wait3A_98 = tpu.memref_squeeze %dma_wait3A_97 : memref<1x128xi32, #tpu.memory_space<vmem>> -> memref<128xi32, #tpu.memory_space<vmem>>
        %dma_wait3A_99 = arith.constant 0 : i32
        %dma_wait3A_100 = arith.constant 0 : i32
        %dma_wait3A_101 = tpu.memref_slice %arg12[%dma_wait3A_99, %dma_wait3A_100] : memref<10240x64xf32, #tpu.memory_space<vmem_shared>> -> memref<10240x64xf32, #tpu.memory_space<vmem_shared>>
        tpu.wait_indirect_dma semaphore(%run_scoped3A : memref<!tpu.dma_semaphore, #tpu.memory_space<semaphore_mem>>) src(%arg8 : memref<128x64xf32, #tpu.memory_space<vmem>>) dst(%dma_wait3A_101 : memref<10240x64xf32, #tpu.memory_space<vmem_shared>>)
        tpu.yield
      }) : () -> ()
      %add3A_64 = arith.constant 2 : i32
      %add3A_65 = arith.addi %add3A_54, %add3A_64 : i32
      %lt3A = arith.constant 158 : i32
      %lt3A_66 = arith.cmpi slt, %add3A_65, %lt3A : i32
      %convert_element_type3A = arith.extui %lt3A_66 : i1 to i32
      %cond3A = arith.constant 0 : i32
      %cond3A_67 = arith.cmpi ne, %convert_element_type3A, %cond3A : i32
      scf.if %cond3A_67 {
        %add3A_90 = arith.constant 2 : i32
        %add3A_91 = arith.addi %add3A_54, %add3A_90 : i32
        %dma_start3A_92 = arith.constant 0 : i32
        %dma_start3A_93 = tpu.memref_slice %arg6[%add3A_91, %dma_start3A_92] : memref<158x128xi32, #tpu.memory_space<vmem>> -> memref<1x128xi32, #tpu.memory_space<vmem>>
        %dma_start3A_94 = tpu.memref_squeeze %dma_start3A_93 : memref<1x128xi32, #tpu.memory_space<vmem>> -> memref<128xi32, #tpu.memory_space<vmem>>
        %dma_start3A_95 = arith.constant 0 : i32
        %dma_start3A_96 = arith.constant 0 : i32
        %dma_start3A_97 = tpu.memref_slice %arg2[%arg0, %dma_start3A_95, %dma_start3A_96] : memref<2x10240x64xf32, #tpu.memory_space<hbm>> -> memref<1x10240x64xf32, #tpu.memory_space<hbm>>
        %dma_start3A_98 = tpu.memref_squeeze %dma_start3A_97 : memref<1x10240x64xf32, #tpu.memory_space<hbm>> -> memref<10240x64xf32, #tpu.memory_space<hbm>>
        %dma_start3A_99 = arith.constant 0 : i32
        %dma_start3A_100 = arith.constant 0 : i32
        %dma_start3A_101 = tpu.memref_slice %dma_start3A_98[%dma_start3A_99, %dma_start3A_100] : memref<10240x64xf32, #tpu.memory_space<hbm>> -> memref<10240x64xf32, #tpu.memory_space<hbm>>
        tpu.enqueue_indirect_dma source(%dma_start3A_101 : memref<10240x64xf32, #tpu.memory_space<hbm>>) target(%arg8 : memref<128x64xf32, #tpu.memory_space<vmem>>) offsets(%dma_start3A_94 : memref<128xi32, #tpu.memory_space<vmem>>) semaphore(%arg13 : memref<!tpu.dma_semaphore, #tpu.memory_space<semaphore_mem>>)
      } else {
      }
      %mul3A_68 = arith.constant 2 : i32
      %mul3A_69 = arith.muli %scan3A_50, %mul3A_68 : i32
      %add3A_70 = arith.constant 1 : i32
      %add3A_71 = arith.addi %mul3A_69, %add3A_70 : i32
      %dma_wait3A_72 = arith.constant 0 : i32
      %dma_wait3A_73 = tpu.memref_slice %arg6[%add3A_71, %dma_wait3A_72] : memref<158x128xi32, #tpu.memory_space<vmem>> -> memref<1x128xi32, #tpu.memory_space<vmem>>
      %dma_wait3A_74 = tpu.memref_squeeze %dma_wait3A_73 : memref<1x128xi32, #tpu.memory_space<vmem>> -> memref<128xi32, #tpu.memory_space<vmem>>
      %dma_wait3A_75 = arith.constant 0 : i32
      %dma_wait3A_76 = arith.constant 0 : i32
      %dma_wait3A_77 = tpu.memref_slice %arg2[%arg0, %dma_wait3A_75, %dma_wait3A_76] : memref<2x10240x64xf32, #tpu.memory_space<hbm>> -> memref<1x10240x64xf32, #tpu.memory_space<hbm>>
      %dma_wait3A_78 = tpu.memref_squeeze %dma_wait3A_77 : memref<1x10240x64xf32, #tpu.memory_space<hbm>> -> memref<10240x64xf32, #tpu.memory_space<hbm>>
      %dma_wait3A_79 = arith.constant 0 : i32
      %dma_wait3A_80 = arith.constant 0 : i32
      %dma_wait3A_81 = tpu.memref_slice %dma_wait3A_78[%dma_wait3A_79, %dma_wait3A_80] : memref<10240x64xf32, #tpu.memory_space<hbm>> -> memref<10240x64xf32, #tpu.memory_space<hbm>>
      tpu.wait_indirect_dma semaphore(%arg14 : memref<!tpu.dma_semaphore, #tpu.memory_space<semaphore_mem>>) src(%dma_wait3A_81 : memref<10240x64xf32, #tpu.memory_space<hbm>>) dst(%arg9 : memref<128x64xf32, #tpu.memory_space<vmem>>)
      "tpu.region"() ({
        %run_scoped3A = tpu.sem_alloc : memref<!tpu.dma_semaphore, #tpu.memory_space<semaphore_mem>>
        %dma_start3A_90 = arith.constant 0 : i32
        %dma_start3A_91 = tpu.memref_slice %arg7[%add3A_71, %dma_start3A_90] : memref<158x128xi32, #tpu.memory_space<vmem>> -> memref<1x128xi32, #tpu.memory_space<vmem>>
        %dma_start3A_92 = tpu.memref_squeeze %dma_start3A_91 : memref<1x128xi32, #tpu.memory_space<vmem>> -> memref<128xi32, #tpu.memory_space<vmem>>
        %dma_start3A_93 = arith.constant 0 : i32
        %dma_start3A_94 = arith.constant 0 : i32
        %dma_start3A_95 = tpu.memref_slice %arg12[%dma_start3A_93, %dma_start3A_94] : memref<10240x64xf32, #tpu.memory_space<vmem_shared>> -> memref<10240x64xf32, #tpu.memory_space<vmem_shared>>
        tpu.enqueue_indirect_dma source(%arg9 : memref<128x64xf32, #tpu.memory_space<vmem>>) target(%dma_start3A_95 : memref<10240x64xf32, #tpu.memory_space<vmem_shared>>) offsets(%dma_start3A_92 : memref<128xi32, #tpu.memory_space<vmem>>) semaphore(%run_scoped3A : memref<!tpu.dma_semaphore, #tpu.memory_space<semaphore_mem>>) {add = true}
        %dma_wait3A_96 = arith.constant 0 : i32
        %dma_wait3A_97 = tpu.memref_slice %arg7[%add3A_71, %dma_wait3A_96] : memref<158x128xi32, #tpu.memory_space<vmem>> -> memref<1x128xi32, #tpu.memory_space<vmem>>
        %dma_wait3A_98 = tpu.memref_squeeze %dma_wait3A_97 : memref<1x128xi32, #tpu.memory_space<vmem>> -> memref<128xi32, #tpu.memory_space<vmem>>
        %dma_wait3A_99 = arith.constant 0 : i32
        %dma_wait3A_100 = arith.constant 0 : i32
        %dma_wait3A_101 = tpu.memref_slice %arg12[%dma_wait3A_99, %dma_wait3A_100] : memref<10240x64xf32, #tpu.memory_space<vmem_shared>> -> memref<10240x64xf32, #tpu.memory_space<vmem_shared>>
        tpu.wait_indirect_dma semaphore(%run_scoped3A : memref<!tpu.dma_semaphore, #tpu.memory_space<semaphore_mem>>) src(%arg9 : memref<128x64xf32, #tpu.memory_space<vmem>>) dst(%dma_wait3A_101 : memref<10240x64xf32, #tpu.memory_space<vmem_shared>>)
        tpu.yield
      }) : () -> ()
      %add3A_82 = arith.constant 2 : i32
      %add3A_83 = arith.addi %add3A_71, %add3A_82 : i32
      %lt3A_84 = arith.constant 158 : i32
      %lt3A_85 = arith.cmpi slt, %add3A_83, %lt3A_84 : i32
      %convert_element_type3A_86 = arith.extui %lt3A_85 : i1 to i32
      %cond3A_87 = arith.constant 0 : i32
      %cond3A_88 = arith.cmpi ne, %convert_element_type3A_86, %cond3A_87 : i32
      scf.if %cond3A_88 {
        %add3A_90 = arith.constant 2 : i32
        %add3A_91 = arith.addi %add3A_71, %add3A_90 : i32
        %dma_start3A_92 = arith.constant 0 : i32
        %dma_start3A_93 = tpu.memref_slice %arg6[%add3A_91, %dma_start3A_92] : memref<158x128xi32, #tpu.memory_space<vmem>> -> memref<1x128xi32, #tpu.memory_space<vmem>>
        %dma_start3A_94 = tpu.memref_squeeze %dma_start3A_93 : memref<1x128xi32, #tpu.memory_space<vmem>> -> memref<128xi32, #tpu.memory_space<vmem>>
        %dma_start3A_95 = arith.constant 0 : i32
        %dma_start3A_96 = arith.constant 0 : i32
        %dma_start3A_97 = tpu.memref_slice %arg2[%arg0, %dma_start3A_95, %dma_start3A_96] : memref<2x10240x64xf32, #tpu.memory_space<hbm>> -> memref<1x10240x64xf32, #tpu.memory_space<hbm>>
        %dma_start3A_98 = tpu.memref_squeeze %dma_start3A_97 : memref<1x10240x64xf32, #tpu.memory_space<hbm>> -> memref<10240x64xf32, #tpu.memory_space<hbm>>
        %dma_start3A_99 = arith.constant 0 : i32
        %dma_start3A_100 = arith.constant 0 : i32
        %dma_start3A_101 = tpu.memref_slice %dma_start3A_98[%dma_start3A_99, %dma_start3A_100] : memref<10240x64xf32, #tpu.memory_space<hbm>> -> memref<10240x64xf32, #tpu.memory_space<hbm>>
        tpu.enqueue_indirect_dma source(%dma_start3A_101 : memref<10240x64xf32, #tpu.memory_space<hbm>>) target(%arg9 : memref<128x64xf32, #tpu.memory_space<vmem>>) offsets(%dma_start3A_94 : memref<128xi32, #tpu.memory_space<vmem>>) semaphore(%arg14 : memref<!tpu.dma_semaphore, #tpu.memory_space<semaphore_mem>>)
      } else {
      }
      %scan3A_89 = arith.constant 0 : i32
      scf.yield %scan3A_89 : i32
    }
    %scan3A_41 = arith.constant 79 : i32
    %barrier3A_42 = arith.constant 0 : index
    tpu.barrier barrier_id(%barrier3A_42)
    %scan3A_43 = arith.constant 0 : i32
    %scan3A_44 = arith.constant 0 : i32
    %scan3A_45 = arith.constant 5 : i32
    %scan3A_46 = arith.addi %scan3A_44, %scan3A_45 : i32
    %scan3A_47 = arith.constant 1 : i32
    %scan3A_48 = scf.for %scan3A_50 = %scan3A_44 to %scan3A_46 step %scan3A_47 iter_args(%scan3A_51 = %scan3A_43) -> (i32)  : i32 {
      %mul3A_52 = arith.constant 128 : i32
      %mul3A_53 = arith.muli %scan3A_50, %mul3A_52 : i32
      %add3A = arith.addi %mul3A_0, %mul3A_53 : i32
      "tpu.region"() ({
        %run_scoped3A = tpu.sem_alloc : memref<!tpu.dma_semaphore, #tpu.memory_space<semaphore_mem>>
        %dma_start3A_58 = arith.constant 0 : i32
        %dma_start3A_59 = tpu.memref_slice %arg12[%add3A, %dma_start3A_58] : memref<10240x64xf32, #tpu.memory_space<vmem_shared>> -> memref<128x64xf32, #tpu.memory_space<vmem_shared>>
        %dma_start3A_60 = arith.constant 0 : i32
        %dma_start3A_61 = tpu.memref_slice %arg12[%add3A, %dma_start3A_60] : memref<10240x64xf32, #tpu.memory_space<vmem_shared>> -> memref<128x64xf32, #tpu.memory_space<vmem_shared>>
        tpu.enqueue_dma source(%dma_start3A_61 : memref<128x64xf32, #tpu.memory_space<vmem_shared>>) target(%arg11 : memref<128x64xf32, #tpu.memory_space<vmem>>) target_semaphore(%run_scoped3A : memref<!tpu.dma_semaphore, #tpu.memory_space<semaphore_mem>>)
        %dma_wait3A = arith.constant 0 : i32
        %dma_wait3A_62 = tpu.memref_slice %arg12[%add3A, %dma_wait3A] : memref<10240x64xf32, #tpu.memory_space<vmem_shared>> -> memref<128x64xf32, #tpu.memory_space<vmem_shared>>
        %dma_wait3A_63 = arith.constant 0 : i32
        %dma_wait3A_64 = tpu.memref_slice %arg12[%add3A, %dma_wait3A_63] : memref<10240x64xf32, #tpu.memory_space<vmem_shared>> -> memref<128x64xf32, #tpu.memory_space<vmem_shared>>
        tpu.wait_dma2 semaphore(%run_scoped3A : memref<!tpu.dma_semaphore, #tpu.memory_space<semaphore_mem>>) src(%dma_wait3A_64 : memref<128x64xf32, #tpu.memory_space<vmem_shared>>) dst(%arg11 : memref<128x64xf32, #tpu.memory_space<vmem>>)
        tpu.yield
      }) : () -> ()
      %mul3A_54 = arith.constant 128 : i32
      %mul3A_55 = arith.muli %scan3A_50, %mul3A_54 : i32
      %add3A_56 = arith.addi %mul3A_0, %mul3A_55 : i32
      "tpu.region"() ({
        %run_scoped3A = tpu.sem_alloc : memref<!tpu.dma_semaphore, #tpu.memory_space<semaphore_mem>>
        %dma_start3A_58 = arith.constant 0 : i32
        %dma_start3A_59 = tpu.memref_slice %arg5[%arg0, %add3A_56, %dma_start3A_58] : memref<2x10240x64xf32, #tpu.memory_space<hbm>> -> memref<1x128x64xf32, #tpu.memory_space<hbm>>
        %dma_start3A_60 = tpu.memref_squeeze %dma_start3A_59 : memref<1x128x64xf32, #tpu.memory_space<hbm>> -> memref<128x64xf32, #tpu.memory_space<hbm>>
        %dma_start3A_61 = arith.constant 0 : i32
        %dma_start3A_62 = tpu.memref_slice %arg5[%arg0, %add3A_56, %dma_start3A_61] : memref<2x10240x64xf32, #tpu.memory_space<hbm>> -> memref<1x128x64xf32, #tpu.memory_space<hbm>>
        %dma_start3A_63 = tpu.memref_squeeze %dma_start3A_62 : memref<1x128x64xf32, #tpu.memory_space<hbm>> -> memref<128x64xf32, #tpu.memory_space<hbm>>
        tpu.enqueue_dma source(%arg11 : memref<128x64xf32, #tpu.memory_space<vmem>>) target(%dma_start3A_63 : memref<128x64xf32, #tpu.memory_space<hbm>>) target_semaphore(%run_scoped3A : memref<!tpu.dma_semaphore, #tpu.memory_space<semaphore_mem>>)
        %dma_wait3A = arith.constant 0 : i32
        %dma_wait3A_64 = tpu.memref_slice %arg5[%arg0, %add3A_56, %dma_wait3A] : memref<2x10240x64xf32, #tpu.memory_space<hbm>> -> memref<1x128x64xf32, #tpu.memory_space<hbm>>
        %dma_wait3A_65 = tpu.memref_squeeze %dma_wait3A_64 : memref<1x128x64xf32, #tpu.memory_space<hbm>> -> memref<128x64xf32, #tpu.memory_space<hbm>>
        %dma_wait3A_66 = arith.constant 0 : i32
        %dma_wait3A_67 = tpu.memref_slice %arg5[%arg0, %add3A_56, %dma_wait3A_66] : memref<2x10240x64xf32, #tpu.memory_space<hbm>> -> memref<1x128x64xf32, #tpu.memory_space<hbm>>
        %dma_wait3A_68 = tpu.memref_squeeze %dma_wait3A_67 : memref<1x128x64xf32, #tpu.memory_space<hbm>> -> memref<128x64xf32, #tpu.memory_space<hbm>>
        tpu.wait_dma2 semaphore(%run_scoped3A : memref<!tpu.dma_semaphore, #tpu.memory_space<semaphore_mem>>) src(%arg11 : memref<128x64xf32, #tpu.memory_space<vmem>>) dst(%dma_wait3A_68 : memref<128x64xf32, #tpu.memory_space<hbm>>)
        tpu.yield
      }) : () -> ()
      %scan3A_57 = arith.constant 0 : i32
      scf.yield %scan3A_57 : i32
    }
    %scan3A_49 = arith.constant 5 : i32
    return
  }
}

module attributes {stable_mosaic.version = 14 : i64} {
  func.func @_combine_body(%arg0: i32, %arg1: memref<2x512x64xf32, #tpu.memory_space<vmem>>, %arg2: memref<2x512x64xf32, #tpu.memory_space<vmem>>, %arg3: memref<2x512x64xf32, #tpu.memory_space<vmem>>, %arg4: memref<2x512x64xf32, #tpu.memory_space<vmem>>) attributes {dimension_semantics = [#tpu.dimension_semantics<arbitrary>], iteration_bounds = array<i64: 20>, scalar_prefetch = 0 : i64, scratch_operands = 0 : i64, tpu.core_type = #tpu.core_type<tc>, window_params = [{transform_indices = @transform_0, window_bounds = array<i64: 2, 512, 64>}, {transform_indices = @transform_1, window_bounds = array<i64: 2, 512, 64>}, {transform_indices = @transform_2, window_bounds = array<i64: 2, 512, 64>}, {transform_indices = @transform_3, window_bounds = array<i64: 2, 512, 64>}]} {
    %get3A = arith.constant 0 : index
    %get3A_0 = arith.constant 0 : index
    %get3A_1 = arith.constant 0 : index
    %get3A_2 = vector.load %arg1[%get3A, %get3A_0, %get3A_1] : memref<2x512x64xf32, #tpu.memory_space<vmem>>, vector<2x512x64xf32>
    %get3A_3 = arith.constant 0 : index
    %get3A_4 = arith.constant 0 : index
    %get3A_5 = arith.constant 0 : index
    %get3A_6 = vector.load %arg2[%get3A_3, %get3A_4, %get3A_5] : memref<2x512x64xf32, #tpu.memory_space<vmem>>, vector<2x512x64xf32>
    %mul3A = arith.mulf %get3A_2, %get3A_6 : vector<2x512x64xf32>
    %get3A_7 = arith.constant 0 : index
    %get3A_8 = arith.constant 0 : index
    %get3A_9 = arith.constant 0 : index
    %get3A_10 = vector.load %arg3[%get3A_7, %get3A_8, %get3A_9] : memref<2x512x64xf32, #tpu.memory_space<vmem>>, vector<2x512x64xf32>
    %add3A = arith.addf %mul3A, %get3A_10 : vector<2x512x64xf32>
    %swap3A = arith.constant 0 : index
    %swap3A_11 = arith.constant 0 : index
    %swap3A_12 = arith.constant 0 : index
    %swap3A_13 = vector.load %arg4[%swap3A, %swap3A_11, %swap3A_12] : memref<2x512x64xf32, #tpu.memory_space<vmem>>, vector<2x512x64xf32>
    tpu.vector_store %arg4[%swap3A, %swap3A_11, %swap3A_12], %add3A {strides = array<i32>} : memref<2x512x64xf32, #tpu.memory_space<vmem>>, vector<2x512x64xf32>,
    return
  }
  func.func @transform_0(%arg0: i32) -> (i32, i32, i32) {
    %c0_i32 = arith.constant 0 : i32
    %c0_i32_0 = arith.constant 0 : i32
    %c0_i32_1 = arith.constant 0 : i32
    return %c0_i32, %arg0, %c0_i32_0 : i32, i32, i32
  }
  func.func @transform_1(%arg0: i32) -> (i32, i32, i32) {
    %c0_i32 = arith.constant 0 : i32
    %c0_i32_0 = arith.constant 0 : i32
    %c0_i32_1 = arith.constant 0 : i32
    return %c0_i32, %arg0, %c0_i32_0 : i32, i32, i32
  }
  func.func @transform_2(%arg0: i32) -> (i32, i32, i32) {
    %c0_i32 = arith.constant 0 : i32
    %c0_i32_0 = arith.constant 0 : i32
    %c0_i32_1 = arith.constant 0 : i32
    return %c0_i32, %arg0, %c0_i32_0 : i32, i32, i32
  }
  func.func @transform_3(%arg0: i32) -> (i32, i32, i32) {
    %c0_i32 = arith.constant 0 : i32
    %c0_i32_0 = arith.constant 0 : i32
    %c0_i32_1 = arith.constant 0 : i32
    return %c0_i32, %arg0, %c0_i32_0 : i32, i32, i32
  }
}

module attributes {stable_mosaic.version = 14 : i64} {
  func.func @_mlp_body(%arg0: i32, %arg1: memref<2x512x64xf32, #tpu.memory_space<vmem>>, %arg2: memref<2x512x64xf32, #tpu.memory_space<vmem>>, %arg3: memref<128x256xf32, #tpu.memory_space<vmem>>, %arg4: memref<1x256xf32, #tpu.memory_space<vmem>>, %arg5: memref<256x128xf32, #tpu.memory_space<vmem>>, %arg6: memref<1x128xf32, #tpu.memory_space<vmem>>, %arg7: memref<512x128xf32, #tpu.memory_space<vmem>>) attributes {dimension_semantics = [#tpu.dimension_semantics<arbitrary>], iteration_bounds = array<i64: 20>, scalar_prefetch = 0 : i64, scratch_operands = 0 : i64, tpu.core_type = #tpu.core_type<tc>, window_params = [{transform_indices = @transform_0, window_bounds = array<i64: 2, 512, 64>}, {transform_indices = @transform_1, window_bounds = array<i64: 2, 512, 64>}, {pipeline_mode = #tpu.pipeline_mode<synchronous>, transform_indices = @transform_2, window_bounds = array<i64: 128, 256>}, {pipeline_mode = #tpu.pipeline_mode<synchronous>, transform_indices = @transform_3, window_bounds = array<i64: 1, 256>}, {pipeline_mode = #tpu.pipeline_mode<synchronous>, transform_indices = @transform_4, window_bounds = array<i64: 256, 128>}, {pipeline_mode = #tpu.pipeline_mode<synchronous>, transform_indices = @transform_5, window_bounds = array<i64: 1, 128>}, {transform_indices = @transform_6, window_bounds = array<i64: 512, 128>}]} {
    %get3A = arith.constant 0 : index
    %get3A_0 = arith.constant 0 : index
    %get3A_1 = arith.constant 0 : index
    %get3A_2 = vector.load %arg1[%get3A, %get3A_0, %get3A_1] : memref<2x512x64xf32, #tpu.memory_space<vmem>>, vector<2x512x64xf32>
    %get3A_3 = arith.constant 0 : index
    %get3A_4 = arith.constant 0 : index
    %get3A_5 = arith.constant 0 : index
    %get3A_6 = vector.load %arg2[%get3A_3, %get3A_4, %get3A_5] : memref<2x512x64xf32, #tpu.memory_space<vmem>>, vector<2x512x64xf32>
    %mul3A = arith.mulf %get3A_2, %get3A_6 : vector<2x512x64xf32>
    %slice3A = vector.extract_strided_slice %mul3A {offsets = [0, 0, 0], sizes = [1, 512, 64], strides = [1, 1, 1]} : vector<2x512x64xf32> to vector<1x512x64xf32>
    %squeeze3A = vector.shape_cast %slice3A : vector<1x512x64xf32> to vector<512x64xf32>
    %slice3A_7 = vector.extract_strided_slice %mul3A {offsets = [1, 0, 0], sizes = [1, 512, 64], strides = [1, 1, 1]} : vector<2x512x64xf32> to vector<1x512x64xf32>
    %squeeze3A_8 = vector.shape_cast %slice3A_7 : vector<1x512x64xf32> to vector<512x64xf32>
    %concatenate3A = tpu.concatenate %squeeze3A, %squeeze3A_8 in 1 : vector<512x64xf32>, vector<512x64xf32> -> vector<512x128xf32>
    %get3A_9 = arith.constant 0 : index
    %get3A_10 = arith.constant 0 : index
    %get3A_11 = vector.load %arg3[%get3A_9, %get3A_10] : memref<128x256xf32, #tpu.memory_space<vmem>>, vector<128x256xf32>
    %dot_general3A = arith.constant dense<0.000000e+00> : vector<512x256xf32>
    %dot_general3A_12 = tpu.matmul %concatenate3A, %get3A_11, %dot_general3A {dimension_numbers = #tpu.dot_dimension_numbers<[1], [0], [0], [1], [0, 0, 1, 1], [], []>, transpose_lhs_hint = false} : vector<512x128xf32>, vector<128x256xf32>, vector<512x256xf32> -> vector<512x256xf32>
    %get3A_13 = arith.constant 0 : index
    %get3A_14 = arith.constant 0 : index
    %get3A_15 = vector.load %arg4[%get3A_13, %get3A_14] : memref<1x256xf32, #tpu.memory_space<vmem>>, vector<1x256xf32>
    %add3A = vector.broadcast %get3A_15 : vector<1x256xf32> to vector<512x256xf32>
    %add3A_16 = arith.addf %dot_general3A_12, %add3A : vector<512x256xf32>
    %max3A = arith.constant 0.000000e+00 : f32
    %max3A_17 = vector.broadcast %max3A : f32 to vector<512x256xf32>
    %max3A_18 = arith.maximumf %add3A_16, %max3A_17 : vector<512x256xf32>
    %get3A_19 = arith.constant 0 : index
    %get3A_20 = arith.constant 0 : index
    %get3A_21 = vector.load %arg5[%get3A_19, %get3A_20] : memref<256x128xf32, #tpu.memory_space<vmem>>, vector<256x128xf32>
    %dot_general3A_22 = arith.constant dense<0.000000e+00> : vector<512x128xf32>
    %dot_general3A_23 = tpu.matmul %max3A_18, %get3A_21, %dot_general3A_22 {dimension_numbers = #tpu.dot_dimension_numbers<[1], [0], [0], [1], [0, 0, 1, 1], [], []>, transpose_lhs_hint = false} : vector<512x256xf32>, vector<256x128xf32>, vector<512x128xf32> -> vector<512x128xf32>
    %get3A_24 = arith.constant 0 : index
    %get3A_25 = arith.constant 0 : index
    %get3A_26 = vector.load %arg6[%get3A_24, %get3A_25] : memref<1x128xf32, #tpu.memory_space<vmem>>, vector<1x128xf32>
    %add3A_27 = vector.broadcast %get3A_26 : vector<1x128xf32> to vector<512x128xf32>
    %add3A_28 = arith.addf %dot_general3A_23, %add3A_27 : vector<512x128xf32>
    %swap3A = arith.constant 0 : index
    %swap3A_29 = arith.constant 0 : index
    %swap3A_30 = vector.load %arg7[%swap3A, %swap3A_29] : memref<512x128xf32, #tpu.memory_space<vmem>>, vector<512x128xf32>
    tpu.vector_store %arg7[%swap3A, %swap3A_29], %add3A_28 {strides = array<i32>} : memref<512x128xf32, #tpu.memory_space<vmem>>, vector<512x128xf32>,
    return
  }
  func.func @transform_0(%arg0: i32) -> (i32, i32, i32) {
    %c0_i32 = arith.constant 0 : i32
    %c0_i32_0 = arith.constant 0 : i32
    %c0_i32_1 = arith.constant 0 : i32
    return %c0_i32, %arg0, %c0_i32_0 : i32, i32, i32
  }
  func.func @transform_1(%arg0: i32) -> (i32, i32, i32) {
    %c0_i32 = arith.constant 0 : i32
    %c0_i32_0 = arith.constant 0 : i32
    %c0_i32_1 = arith.constant 0 : i32
    return %c0_i32, %arg0, %c0_i32_0 : i32, i32, i32
  }
  func.func @transform_2(%arg0: i32) -> (i32, i32) {
    %c0_i32 = arith.constant 0 : i32
    %c0_i32_0 = arith.constant 0 : i32
    %c0_i32_1 = arith.constant 0 : i32
    return %c0_i32, %c0_i32_0 : i32, i32
  }
  func.func @transform_3(%arg0: i32) -> (i32, i32) {
    %c0_i32 = arith.constant 0 : i32
    %c0_i32_0 = arith.constant 0 : i32
    %c0_i32_1 = arith.constant 0 : i32
    return %c0_i32, %c0_i32_0 : i32, i32
  }
  func.func @transform_4(%arg0: i32) -> (i32, i32) {
    %c0_i32 = arith.constant 0 : i32
    %c0_i32_0 = arith.constant 0 : i32
    %c0_i32_1 = arith.constant 0 : i32
    return %c0_i32, %c0_i32_0 : i32, i32
  }
  func.func @transform_5(%arg0: i32) -> (i32, i32) {
    %c0_i32 = arith.constant 0 : i32
    %c0_i32_0 = arith.constant 0 : i32
    %c0_i32_1 = arith.constant 0 : i32
    return %c0_i32, %c0_i32_0 : i32, i32
  }
  func.func @transform_6(%arg0: i32) -> (i32, i32) {
    %c0_i32 = arith.constant 0 : i32
    %c0_i32_0 = arith.constant 0 : i32
    return %arg0, %c0_i32 : i32, i32
  }
}

</mosaic_0001>

<sc_bundles>
// kernel: closed_call.13.cloned.1.call-start
scs
__scs_entry_jumppad:
0x0: {  	(pc) =	sbr.rel $0x88, $3  }
0x1: {  	(tag) =	ssettag $0x0;
	lr =	simm.s32 $0x1  }
0x2: {  	[smem:$0x3F9B] =	sst lr;
	_ =	strace $0xD0000000  }
0x3: {  	_ = 	snop  }
0x4: {  	_ = 	snop  }
0x5: {  	_ = 	snop  }
0x6: {  	_ = 	snop  }
0x7: {  	_ = 	snop  }
__scs_overlays_trampoline_lowered:
0x8: {  	[smem:$0x3FAA] =	sst s0  }
0x9: {  	[smem:$0x3FAB] =	sst s1  }
0xa: {  	[smem:$0x3FAC] =	sst s2  }
0xb: {  	[smem:$0x3FAD] =	sst s3  }
0xc: {  	[smem:$0x3FAE] =	sst s4  }
0xd: {  	[smem:$0x3FAF] =	sst s5  }
0xe: {  	[smem:$0x3FB0] =	sst s6  }
0xf: {  	[smem:$0x3FB1] =	sst s7  }
0x10: {  	[smem:$0x3FB2] =	sst s8  }
0x11: {  	[smem:$0x3FB3] =	sst s9;
	s0 =	simm.s32 @!p0 $0x0  }
0x12: {  	s1 =	sld [smem:$0x3F99];
	s0 =	simm.s32 @p0 $0x1  }
0x13: {  	[smem:$0x3FB4] =	sst s0;
	s0 =	simm.s32 @!p1 $0x0  }
0x14: {  	s2 =	sld [smem:$0x3F98];
	s0 =	simm.s32 @p1 $0x1  }
0x15: {  	[smem:$0x3FB5] =	sst s0;
	s0 =	simm.s32 @!p2 $0x0  }
0x16: {  	s3 =	sld [smem:$0x3FDB];
	s0 =	simm.s32 @p2 $0x1  }
0x17: {  	s4 =	simm.s32 $0x1BF5;
	[smem:$0x3FB7] =	sst s0  }
0x18: {  	s0 =	sld [smem:$0x3F9A];
	_ =	swait.ge [sflag:s4], $0x0  }
0x19: {  	s7 =	sld [smem:$0x3F9B]  }
0x1a: {  	s8 =	sadd.s32 $0xFFFFE003, lr  }
0x1b: {  	s9 =	sadd.s32 $0xFFFFFEF7, lr;
	s5 =	simm.s32 $0xFFFFFFFF;
	p2 =	slt.u32 s8, $0xFFFFF086  }
0x1c: {  	p1 =	slt.u32 s9, $0xF7A;
	s5 =	simm.s32 @!p2 $0x0  }
0x1d: {  	s5 =	simm.s32 @p1 $0x1;
	p0 =	seq.s32 s7, s2  }
0x1e: {  	s7 =	smul.u32 @!p0 $0xF7A, s2;
	p2 =	seq.s32 @!p0 s5, $0x0  }
0x1f: {  	s9 =	smul.u32 $0xF7A, s1;
	s8 =	simm.s32 @!p0 $0x1BF5;
	p2 =	por !p2, p0  }
0x20: {  	[sflag:s8] =	ssyncset.s32 @!p0 $0xFFFFF086;
	s6 =	sadd.s32 @!p0 s3, s7;
	s7 =	simm.s32 @!p0 $0x108  }
0x21: {  	s3 =	sadd.s32 s3, s9;
	s6 =	sadd.s32 @!p0 $0x88, s6;
	s7 =	simm.s32 @p2 $0x1082  }
0x22: {  	[simem:s7], [sflag:s8] =	dma.local @!p0 [hbm:s6], $0xF7A  }
0x23: {  	s9 =	sor.u32 $0xD0000000, s2;
	s6 =	simm.s32 $0x108;
	_ =	swait.ge @!p0 [sflag:s8], $0x0  }
0x24: {  	s3 =	sadd.s32 $0x88, s3;
	s6 =	simm.s32 @!p1 $0x1082;
	[sflag:s4] =	ssyncset.s32 $0xFFFFF086  }
0x25: {  	[simem:s6], [sflag:s4] =	dma.local [hbm:s3], $0xF7A  }
0x26: {  	[smem:$0x3F9B] =	sst s1;
	(tag) =	ssettag s2;
	_ =	strace s9  }
0x27: {  	s1 =	sld [smem:$0x3FAB]  }
0x28: {  	s2 =	sld [smem:$0x3FAC]  }
0x29: {  	s4 =	sld [smem:$0x3FAE]  }
0x2a: {  	p0 =	seq.s32 s5, $0x0;
	s5 =	sld [smem:$0x3FAF]  }
0x2b: {  	s6 =	sld [smem:$0x3FB0]  }
0x2c: {  	s7 =	sld [smem:$0x3FB1]  }
0x2d: {  	s3 =	simm.s32 $0x108;
	s8 =	sld [smem:$0x3FB2]  }
0x2e: {  	s3 =	simm.s32 @!p0 $0x1082;
	s9 =	sld [smem:$0x3FB3]  }
0x2f: {  	lr =	sadd.s32 s0, s3;
	s0 =	sld [smem:$0x3FAA]  }
0x30: {  	s3 =	sld [smem:$0x3FAD]  }
0x31: {  	[smem:$0x3FB6] =	sst s10  }
0x32: {  	s10 =	sld [smem:$0x3FB4];
	_ =	sdelay $0x3  }
0x33: {  	p0 =	seq.s32 s10, $0x1;
	s10 =	sld [smem:$0x3FB6];
	_ =	sdelay $0x3  }
0x34: {  	[smem:$0x3FB6] =	sst s10  }
0x35: {  	s10 =	sld [smem:$0x3FB5];
	_ =	sdelay $0x3  }
0x36: {  	p1 =	seq.s32 s10, $0x1;
	s10 =	sld [smem:$0x3FB6];
	_ =	sdelay $0x3  }
0x37: {  	[smem:$0x3FB6] =	sst s10  }
0x38: {  	s10 =	sld [smem:$0x3FB7]  }
0x39: {  	_ = 	snop;
	(pc) =	sbr.ind lr, $3  }
0x3a: {  	_ = 	snop  }
0x3b: {  	_ = 	snop  }
0x3c: {  	p2 =	seq.s32 s10, $0x1;
	s10 =	sld [smem:$0x3FB6]  }
0x3d: {  	_ =	shalt  }
0x3e: {  	_ =	shalt  }
0x3f: {  	_ =	shalt  }
0x40: {  	_ =	shalt  }
0x41: {  	_ =	shalt  }
0x42: {  	_ =	shalt  }
0x43: {  	_ =	shalt  }
0x44: {  	_ =	shalt  }
0x45: {  	_ =	shalt  }
0x46: {  	_ =	shalt  }
0x47: {  	_ =	shalt  }
0x48: {  	_ =	shalt  }
0x49: {  	_ =	shalt  }
0x4a: {  	_ =	shalt  }
0x4b: {  	_ =	shalt  }
0x4c: {  	_ =	shalt  }
0x4d: {  	_ =	shalt  }
0x4e: {  	_ =	shalt  }
0x4f: {  	_ =	shalt  }
0x50: {  	_ =	shalt  }
0x51: {  	_ =	shalt  }
0x52: {  	_ =	shalt  }
0x53: {  	_ =	shalt  }
0x54: {  	_ =	shalt  }
0x55: {  	_ =	shalt  }
0x56: {  	_ =	shalt  }
0x57: {  	_ =	shalt  }
0x58: {  	_ =	shalt  }
0x59: {  	_ =	shalt  }
0x5a: {  	_ =	shalt  }
0x5b: {  	_ =	shalt  }
0x5c: {  	_ =	shalt  }
0x5d: {  	_ =	shalt  }
0x5e: {  	_ =	shalt  }
0x5f: {  	_ =	shalt  }
0x60: {  	_ =	shalt  }
0x61: {  	_ =	shalt  }
0x62: {  	_ =	shalt  }
0x63: {  	_ =	shalt  }
0x64: {  	_ =	shalt  }
0x65: {  	_ =	shalt  }
0x66: {  	_ =	shalt  }
0x67: {  	_ =	shalt  }
0x68: {  	_ =	shalt  }
0x69: {  	_ =	shalt  }
0x6a: {  	_ =	shalt  }
0x6b: {  	_ =	shalt  }
0x6c: {  	_ =	shalt  }
0x6d: {  	_ =	shalt  }
0x6e: {  	_ =	shalt  }
0x6f: {  	_ =	shalt  }
0x70: {  	_ =	shalt  }
0x71: {  	_ =	shalt  }
0x72: {  	_ =	shalt  }
0x73: {  	_ =	shalt  }
0x74: {  	_ =	shalt  }
0x75: {  	_ =	shalt  }
0x76: {  	_ =	shalt  }
0x77: {  	_ =	shalt  }
0x78: {  	_ =	shalt  }
0x79: {  	_ =	shalt  }
0x7a: {  	_ =	shalt  }
0x7b: {  	_ =	shalt  }
0x7c: {  	_ =	shalt  }
0x7d: {  	_ =	shalt  }
0x7e: {  	_ =	shalt  }
0x7f: {  	_ =	shalt  }
0x80: {  	_ =	shalt  }
0x81: {  	_ =	shalt  }
0x82: {  	_ =	shalt  }
0x83: {  	_ =	shalt  }
0x84: {  	_ =	shalt  }
0x85: {  	_ =	shalt  }
0x86: {  	_ =	shalt  }
0x87: {  	_ =	shalt  }
.Lfunc_end0:
.L_simem_size_0:
called_computation_lowered:
.L_overlay_start_0:
0x88: {  	s2 =	sld [smem:$0x3FD9]  }
0x89: {  	s3 =	sld [smem:$0x3FFE];
	_ =	sdelay $0x1  }
0x8a: {  	s1 =	srdreg.scid  }
0x8b: {  	s0 =	sand.u32 $0x1, s1  }
0x8c: {  	s16 =	sshll.u32 s0, $0xA;
	s2 =	sadd.s32 s3, s2  }
0x8d: {  	s2 =	sadd.s32 s2, s16  }
0x8e: {  	[smem:$0x3FC2] =	sst s2  }
0x8f: {  	_ = 	snop  }
0x90: {  	(tm) =	ssettm $0x1  }
0x91: {  	s17 =	sld [smem:$0x3FFB];
	_ =	sdelay $0x3  }
0x92: {  	_ =	strace s17  }
0x93: {  	s2 =	sld [smem:$0x3FFC];
	_ =	sdelay $0x3  }
0x94: {  	_ =	strace s2  }
0x95: {  	s2 =	sld [smem:$0x3FFD];
	_ =	sdelay $0x3  }
0x96: {  	_ =	strace s2  }
0x97: {  	_ =	strace $0x8FFFFFFF  }
0x98: {  	s18 =	sld [smem:$0x3FDB];
	_ =	sdelay $0x1  }
0x99: {  	s19 =	simm.s32 $_scs_section_size  }
0x9a: {  	s4 =	simm.s32 $_size__tile_overlayer_lowered;
	s5 =	simm.s32 $_tile_overlayer_lowered  }
0x9b: {  	s22 =	simm.s32 $0x1BFF;
	s21 =	sshll.u32 s5, $0x1;
	s2 =	sadd.s32 s19, s18  }
0x9c: {  	s6 =	simm.s32 $0x0;
	s20 =	sshll.u32 s4, $0x1;
	s4 =	sadd.s32 s21, s2  }
0x9d: {  	[timem:s6], [sflag:s22] =	dma.local [hbm:s4], s20  }
0x9e: {  	_ =	swait.ge [sflag:s22], s20  }
0x9f: {  	s3 =	ssub.s32 $0x0, s20;
	[sflag:s22] =	ssyncset.done $0x0  }
0xa0: {  	[sflag:s22] =	ssyncadd.s32 s3;
	_ =	sdelay $0x1  }
0xa1: {  	s23 =	simm.s32 $0x1B8B  }
0xa2: {  	_ =	swait.ge [sflag:s23], $0x1  }
0xa3: {  	[sflag:s23] =	ssyncset.done $0x0  }
0xa4: {  	s25 =	simm.s32 $0x1B8E;
	s24 =	sld [smem:$0x3FFE];
	[sflag:s23] =	ssyncadd.s32 $0xFFFFFFFF  }
0xa5: {  	s26 =	simm.s32 $execute0_lowered;
	[smem:$0x3FD2] =	sst s25  }
0xa6: {  	s4 =	sshll.u32 s26, $0x1;
	_ =	strace $0x80000049;
	[dreg:$0x1] =	wrdreg $0xFFFFFFFF  }
0xa7: {  	s28 =	simm.s32 $_size_execute0_lowered;
	s2 =	sadd.s32 s2, s4;
	[dreg:$0x0] =	wrdreg $0x0  }
0xa8: {  	s4 =	sshll.u32 s28, $0x1;
	[dreg:$0x2] =	wrdreg s2  }
0xa9: {  	[dreg:$0x3] =	wrdreg s4  }
0xaa: {  	[dreg:$0x4] =	wrdreg $0xC0  }
0xab: {  	_ =	task [dreg:s6], $0x5FFFF  }
0xac: {  	[dreg:$0x1] =	wrdreg $0xFFFFFFFF  }
0xad: {  	[dreg:$0x0] =	wrdreg $0x60  }
0xae: {  	[dreg:$0x2] =	wrdreg s24  }
0xaf: {  	[dreg:$0x3] =	wrdreg $0x11E000  }
0xb0: {  	[dreg:$0x4] =	wrdreg $0x9  }
0xb1: {  	_ =	task.clear_ibuf [dreg:s6], $0x5FFFF;
	_ =	strace $0x90000049  }
0xb2: {  	s29 =	simm.s32 $0x9;
	_ =	strace $0x8000004B  }
0xb3: {  	_ =	swait.ge [sflag:s29], $0x1  }
0xb4: {  	[sflag:s29] =	ssyncadd.s32 $0xFFFFFFFF  }
0xb5: {  	_ =	strace $0x9000004B  }
0xb6: {  	_ =	sfence  }
0xb7: {  	s30 =	sld [smem:$0x0];
	_ =	sdelay $0x2  }
0xb8: {  	s31 =	sshll.u32 s1, $0xD;
	s1 =	sshrl.u32 s1, $0x2  }
0xb9: {  	s3 =	sand.u32 $0x4000, s31;
	s1 =	sadd.s32 s1, s30  }
0xba: {  	s0 =	sor.u32 s3, s0;
	s1 =	sshll.u32 s1, $0x11  }
0xbb: {  	s0 =	sor.u32 s1, s0  }
0xbc: {  	s0 =	sadd.s32 $0x8F2B, s0  }
0xbd: {  	[sflag:s0] =	ssyncadd.remote.s32 $0x1  }
0xbe: {  	_ =	sfence.sel $0xFFFF  }
0xbf: {  	[dreg:$0x0] =	wrdreg $0xFFFFFFFF;
	(pc) =	sbr.abs _section_cstart, $3  }
0xc0: {  	[dreg:$0x1] =	wrdreg $0xFFFFFFFF  }
0xc1: {  	_ =	task.clear_ibuf [dreg:s6], $0x2FFFF;
	_ =	strace $0x9FFFFFFF  }
0xc2: {  	(tm) =	ssettm $0x7FFFFFFF  }
0xc3: {  	_ =	shalt  }
tec
execute0_lowered:
.L_overlay_start_1:
0x0: {  	(tag) =	ssettag $0x1  }
0x1: {  	s0 =	rddreg [dreg:$0x0];
	s2 =	srdreg.scid  }
0x2: {  	s1 =	rddreg [dreg:$0x1];
	s9 =	stileid.u32  }
0x3: {  	s3 =	simm.s32 $0x0;
	s28 =	simm.s32 $0x9E00;
	s6 =	smul.u32 $0x9E0, s9  }
0x4: {  	s29 =	simm.s32 $0xBE00;
	s30 =	simm.s32 $0x1;
	s20 =	smul.u32 $0x28000, s9  }
0x5: {  	s31 =	simm.s32 $0x2;
	s2 =	sand.u32 $0x1, s2;
	s18 =	smul.u32 $0xA000, s9  }
0x6: {  	[smem:$0x7FF] =	sst s3;
	s5 =	smul.u32 $0xA0000, s2;
	s2 =	ssub.s32 $0x2, s2  }
0x7: {  	_ =	strace $0x8000004A;
	s6 =	sadd.s32 s6, s0;
	s8 =	sshrl.u32 s2, $0x1  }
0x8: {  	s15 =	sadd.s32 $0x2000, s18;
	s19 =	sadd.s32 $0x4000, s18;
	s25 =	sadd.s32 $0x6000, s18  }
0x9: {  	s4 =	sshrl.u32 s5, $0x3;
	s2 =	ssub.s32 s2, s8;
	s21 =	sadd.s32 $0x1E00, s6  }
0xa: {  	s6 =	sadd.s32 $0x33400, s6;
	s8 =	sadd.s32 s18, s1;
	s22 =	sadd.s32 s5, s18  }
0xb: {  	s23 =	sadd.s32 s5, s15;
	s15 =	sadd.s32 s15, s1;
	s17 =	sadd.s32 s19, s1  }
0xc: {  	s24 =	sadd.s32 s5, s19;
	s26 =	sadd.s32 s5, s25;
	s19 =	sadd.s32 s25, s1  }
0xd: {  	s25 =	simm.s32 $0xFE00;
	s7 =	sadd.s32 s4, s0;
	[dreg:$0x3] =	wrdreg s21  }
0xe: {  	s0 =	sadd.s32 $0xB5600, s0;
	s4 =	sshrl.u32 s20, $0x2;
	[dreg:$0x4] =	wrdreg s6  }
0xf: {  	s9 =	smax.u32 s2, $0x1;
	s2 =	sshrl.u32 s22, $0x3;
	s21 =	sadd.s32 $0x8000, s18  }
0x10: {  	s4 =	sadd.s32 s4, s1;
	s7 =	sadd.s32 $0x8D600, s7;
	s14 =	sadd.s32 s0, s2  }
0x11: {  	s2 =	sshrl.u32 s23, $0x3;
	s5 =	sadd.s32 s5, s21;
	s21 =	sadd.s32 s21, s1  }
0x12: {  	s23 =	simm.s32 $0xDE00;
	s10 =	sadd.s32 $0x2000, s4;
	s11 =	sadd.s32 $0x4000, s4  }
0x13: {  	s12 =	sadd.s32 $0x6000, s4;
	s13 =	sadd.s32 $0x8000, s4;
	s16 =	sadd.s32 s0, s2  }
0x14: {  	s2 =	sshrl.u32 s24, $0x3;
	s5 =	sshrl.u32 s5, $0x3;
	s24 =	simm.s32 $0x3  }
0x15: {  	s18 =	sadd.s32 s0, s2;
	s2 =	sshrl.u32 s26, $0x3;
	s22 =	sadd.s32 s0, s5  }
0x16: {  	v0 =	vimm.f32 $0.0e+00;
	s26 =	simm.s32 $0x80;
	s20 =	sadd.s32 s0, s2;
	s0 =	simm.s32 $0x0  }
.LBB2_1:
0x17: {  	s5 =	simm.s32 $0x100;
	s2 =	simm.s32 $0x0  }
.LBB2_2:
0x18: {  	p0 =	sne.s32 s5, $0x7F00;
	[tilespmem:s2+$0xDE30] =	vst v0;
	s6 =	smov.u32 s5;
	s5 =	sadd.s32 $0x100, s5  }
.Ltmp0:
0x19: {  	[tilespmem:s2+$0xDE20] =	vst v0;
	(pc) =	sbr.rel @p0 .LBB2_2-.Ltmp0, $3  }
0x1a: {  	[tilespmem:s2+$0xDE00] =	vst v0  }
0x1b: {  	[tilespmem:s2+$0xDE10] =	vst v0;
	_ =	sdelay $0x1  }
0x1c: {  	s2 =	sshra.s32 s6, $0x2  }
0x1d: {  	[tilespmem:s2+$0xDE30] =	vst v0  }
0x1e: {  	[tilespmem:s2+$0xDE20] =	vst v0  }
0x1f: {  	[tilespmem:s2+$0xDE00] =	vst v0  }
0x20: {  	[tilespmem:s2+$0xDE10] =	vst v0  }
0x21: {  	[spmem:s4] =	stream.linear.scatter [tilespmem:s23], [sflag:$0x3], $0x2000, $0x38;
	[tilespmem:$0x1BE00] =	vst v63  }
0x22: {  	_ =	swait.ge [sflag:s24], $0x2000  }
0x23: {  	[sflag:s24] =	ssyncset.done $0x0  }
0x24: {  	[sflag:s24] =	ssyncadd.s32 $0xFFFFE000  }
0x25: {  	[spmem:s10] =	stream.linear.scatter [tilespmem:s23], [sflag:$0x3], $0x2000, $0x38;
	[tilespmem:$0x1BE00] =	vst v63  }
0x26: {  	_ =	swait.ge [sflag:s24], $0x2000  }
0x27: {  	[sflag:s24] =	ssyncset.done $0x0  }
0x28: {  	[sflag:s24] =	ssyncadd.s32 $0xFFFFE000  }
0x29: {  	[spmem:s11] =	stream.linear.scatter [tilespmem:s23], [sflag:$0x3], $0x2000, $0x38;
	[tilespmem:$0x1BE00] =	vst v63  }
0x2a: {  	_ =	swait.ge [sflag:s24], $0x2000  }
0x2b: {  	[sflag:s24] =	ssyncset.done $0x0  }
0x2c: {  	[sflag:s24] =	ssyncadd.s32 $0xFFFFE000  }
0x2d: {  	[spmem:s12] =	stream.linear.scatter [tilespmem:s23], [sflag:$0x3], $0x2000, $0x38;
	[tilespmem:$0x1BE00] =	vst v63  }
0x2e: {  	_ =	swait.ge [sflag:s24], $0x2000  }
0x2f: {  	[sflag:s24] =	ssyncset.done $0x0  }
0x30: {  	[sflag:s24] =	ssyncadd.s32 $0xFFFFE000  }
0x31: {  	[spmem:s13] =	stream.linear.scatter [tilespmem:s23], [sflag:$0x3], $0x2000, $0x38;
	[tilespmem:$0x1BE00] =	vst v63  }
0x32: {  	_ =	swait.ge [sflag:s24], $0x2000  }
0x33: {  	[sflag:s24] =	ssyncset.done $0x0  }
0x34: {  	s2 =	simm.s32 $0x0;
	s5 =	rddreg [dreg:$0x3];
	[sflag:s24] =	ssyncadd.s32 $0xFFFFE000  }
0x35: {  	[tilespmem:s2], [sflag:$0x3] =	stream.linear.gather [hbm4b:s5+s2], $0x4F00, $0x38;
	[tilespmem:$0x1BE00] =	vst v63  }
0x36: {  	_ =	swait.ge [sflag:s24], $0x4F00  }
0x37: {  	[sflag:s24] =	ssyncset.done $0x0  }
0x38: {  	s6 =	simm.s32 $0x4F00;
	s5 =	rddreg [dreg:$0x4];
	[sflag:s24] =	ssyncadd.s32 $0xFFFFB100  }
0x39: {  	[tilespmem:s6], [sflag:$0x3] =	stream.linear.gather [hbm4b:s5+s2], $0x4F00, $0x38;
	[tilespmem:$0x1BE00] =	vst v63  }
0x3a: {  	_ =	swait.ge [sflag:s24], $0x4F00  }
0x3b: {  	[sflag:s24] =	ssyncset.done $0x0  }
0x3c: {  	[sflag:s24] =	ssyncadd.s32 $0xFFFFB100  }
0x3d: {  	[bflag:$0x0] =	sbarrier.arrive $0xFFFF  }
0x3e: {  	[tilespmem:s28], [sflag:$0x1] =	stream.indirect.gather [hbm4b:s7+s26], $0x40, s2, s26, $0xb8;
	[tilespmem:$0x1BE00] =	vst v63  }
0x3f: {  	_ = 	snop  }
0x40: {  	[tilespmem:s29], [sflag:$0x2] =	stream.indirect.gather [hbm4b:s7+s26], $0x40, s26, s26, $0xb8;
	[tilespmem:$0x1BE00] =	vst v63  }
0x41: {  	_ =	swait.ge [sflag:s30], $0x2000  }
0x42: {  	[sflag:s30] =	ssyncset.done $0x0  }
0x43: {  	s6 =	simm.s32 $0x4F00;
	[sflag:s30] =	ssyncadd.s32 $0xFFFFE000  }
0x44: {  	[spmem:s1] =	stream.indirect.scatter.add.f32 [tilespmem:s28], [sflag:$0x3], $0x40, s6, s26, $0xb8;
	[tilespmem:$0x1BE00] =	vst v63  }
0x45: {  	_ =	swait.ge [sflag:s24], $0x2000  }
0x46: {  	[sflag:s24] =	ssyncset.done $0x0  }
0x47: {  	s5 =	simm.s32 $0x100;
	[sflag:s24] =	ssyncadd.s32 $0xFFFFE000  }
0x48: {  	[tilespmem:s28], [sflag:$0x1] =	stream.indirect.gather [hbm4b:s7+s26], $0x40, s5, s26, $0xb8;
	[tilespmem:$0x1BE00] =	vst v63  }
0x49: {  	_ =	swait.ge [sflag:s31], $0x2000  }
0x4a: {  	[sflag:s31] =	ssyncset.done $0x0  }
0x4b: {  	s6 =	simm.s32 $0x4F80;
	[sflag:s31] =	ssyncadd.s32 $0xFFFFE000  }
0x4c: {  	[spmem:s1] =	stream.indirect.scatter.add.f32 [tilespmem:s29], [sflag:$0x3], $0x40, s6, s26, $0xb8;
	[tilespmem:$0x1BE00] =	vst v63  }
0x4d: {  	_ =	swait.ge [sflag:s24], $0x2000  }
0x4e: {  	[sflag:s24] =	ssyncset.done $0x0  }
0x4f: {  	s2 =	simm.s32 $0x400;
	s5 =	simm.s32 $0x180;
	[sflag:s24] =	ssyncadd.s32 $0xFFFFE000  }
.LBB2_4:
0x50: {  	[tilespmem:s29], [sflag:$0x2] =	stream.indirect.gather [hbm4b:s7+s26], $0x40, s5, s26, $0xb8;
	[tilespmem:$0x1BE00] =	vst v63  }
0x51: {  	s5 =	smov.u32 s2  }
0x52: {  	p0 =	sne.s32 s2, $0x13400;
	s2 =	sadd.s32 $0x400, s2;
	_ =	swait.ge [sflag:s30], $0x2000  }
0x53: {  	s5 =	sshra.s32 s5, $0x2;
	[sflag:s30] =	ssyncset.done $0x0  }
0x54: {  	s6 =	sadd.s32 $0x4F00, s5;
	[sflag:s30] =	ssyncadd.s32 $0xFFFFE000  }
0x55: {  	[spmem:s1] =	stream.indirect.scatter.add.f32 [tilespmem:s28], [sflag:$0x3], $0x40, s6, s26, $0xb8;
	[tilespmem:$0x1BE00] =	vst v63  }
0x56: {  	_ =	swait.ge [sflag:s24], $0x2000  }
0x57: {  	[sflag:s24] =	ssyncset.done $0x0  }
0x58: {  	s6 =	sadd.s32 $0x100, s5;
	[sflag:s24] =	ssyncadd.s32 $0xFFFFE000  }
0x59: {  	[tilespmem:s28], [sflag:$0x1] =	stream.indirect.gather [hbm4b:s7+s26], $0x40, s6, s26, $0xb8;
	[tilespmem:$0x1BE00] =	vst v63  }
0x5a: {  	_ =	swait.ge [sflag:s31], $0x2000  }
0x5b: {  	[sflag:s31] =	ssyncset.done $0x0  }
.Ltmp1:
0x5c: {  	s6 =	sadd.s32 $0x4F80, s5;
	[sflag:s31] =	ssyncadd.s32 $0xFFFFE000;
	(pc) =	sbr.rel @p0 .LBB2_4-.Ltmp1, $4  }
0x5d: {  	[spmem:s1] =	stream.indirect.scatter.add.f32 [tilespmem:s29], [sflag:$0x3], $0x40, s6, s26, $0xb8;
	[tilespmem:$0x1BE00] =	vst v63  }
0x5e: {  	_ =	swait.ge [sflag:s24], $0x2000  }
0x5f: {  	[sflag:s24] =	ssyncset.done $0x0  }
0x60: {  	s5 =	sadd.s32 $0x180, s5;
	[sflag:s24] =	ssyncadd.s32 $0xFFFFE000  }
0x61: {  	[tilespmem:s29], [sflag:$0x2] =	stream.indirect.gather [hbm4b:s7+s26], $0x40, s5, s26, $0xb8;
	[tilespmem:$0x1BE00] =	vst v63  }
0x62: {  	_ =	swait.ge [sflag:s30], $0x2000  }
0x63: {  	[sflag:s30] =	ssyncset.done $0x0  }
0x64: {  	s2 =	simm.s32 $0x9D00;
	[sflag:s30] =	ssyncadd.s32 $0xFFFFE000  }
0x65: {  	[spmem:s1] =	stream.indirect.scatter.add.f32 [tilespmem:s28], [sflag:$0x3], $0x40, s2, s26, $0xb8;
	[tilespmem:$0x1BE00] =	vst v63  }
0x66: {  	_ =	swait.ge [sflag:s24], $0x2000  }
0x67: {  	[sflag:s24] =	ssyncset.done $0x0  }
0x68: {  	[sflag:s24] =	ssyncadd.s32 $0xFFFFE000  }
0x69: {  	_ =	swait.ge [sflag:s31], $0x2000  }
0x6a: {  	[sflag:s31] =	ssyncset.done $0x0  }
0x6b: {  	s6 =	simm.s32 $0x9D80;
	[sflag:s31] =	ssyncadd.s32 $0xFFFFE000  }
0x6c: {  	[spmem:s1] =	stream.indirect.scatter.add.f32 [tilespmem:s29], [sflag:$0x3], $0x40, s6, s26, $0xb8;
	[tilespmem:$0x1BE00] =	vst v63  }
0x6d: {  	_ =	swait.ge [sflag:s24], $0x2000  }
0x6e: {  	[sflag:s24] =	ssyncset.done $0x0  }
0x6f: {  	[sflag:s24] =	ssyncadd.s32 $0xFFFFE000  }
0x70: {  	[bflag:$0x0] =	sbarrier.arrive $0xFFFF  }
0x71: {  	[tilespmem:s25], [sflag:$0x3] =	stream.linear.gather [spmem:s8], $0x2000, $0x38;
	[tilespmem:$0x1BE00] =	vst v63  }
0x72: {  	_ =	swait.ge [sflag:s24], $0x2000  }
0x73: {  	[sflag:s24] =	ssyncset.done $0x0  }
0x74: {  	[sflag:s24] =	ssyncadd.s32 $0xFFFFE000  }
0x75: {  	[hbm4b:s14+s3] =	stream.linear.scatter [tilespmem:s25], [sflag:$0x3], $0x2000, $0x38;
	[tilespmem:$0x1BE00] =	vst v63  }
0x76: {  	_ =	swait.ge [sflag:s24], $0x2000  }
0x77: {  	[sflag:s24] =	ssyncset.done $0x0  }
0x78: {  	[sflag:s24] =	ssyncadd.s32 $0xFFFFE000  }
0x79: {  	[tilespmem:s25], [sflag:$0x3] =	stream.linear.gather [spmem:s15], $0x2000, $0x38;
	[tilespmem:$0x1BE00] =	vst v63  }
0x7a: {  	_ =	swait.ge [sflag:s24], $0x2000  }
0x7b: {  	[sflag:s24] =	ssyncset.done $0x0  }
0x7c: {  	[sflag:s24] =	ssyncadd.s32 $0xFFFFE000  }
0x7d: {  	[hbm4b:s16+s3] =	stream.linear.scatter [tilespmem:s25], [sflag:$0x3], $0x2000, $0x38;
	[tilespmem:$0x1BE00] =	vst v63  }
0x7e: {  	_ =	swait.ge [sflag:s24], $0x2000  }
0x7f: {  	[sflag:s24] =	ssyncset.done $0x0  }
0x80: {  	[sflag:s24] =	ssyncadd.s32 $0xFFFFE000  }
0x81: {  	[tilespmem:s25], [sflag:$0x3] =	stream.linear.gather [spmem:s17], $0x2000, $0x38;
	[tilespmem:$0x1BE00] =	vst v63  }
0x82: {  	_ =	swait.ge [sflag:s24], $0x2000  }
0x83: {  	[sflag:s24] =	ssyncset.done $0x0  }
0x84: {  	[sflag:s24] =	ssyncadd.s32 $0xFFFFE000  }
0x85: {  	[hbm4b:s18+s3] =	stream.linear.scatter [tilespmem:s25], [sflag:$0x3], $0x2000, $0x38;
	[tilespmem:$0x1BE00] =	vst v63  }
0x86: {  	_ =	swait.ge [sflag:s24], $0x2000  }
0x87: {  	[sflag:s24] =	ssyncset.done $0x0  }
0x88: {  	[sflag:s24] =	ssyncadd.s32 $0xFFFFE000  }
0x89: {  	[tilespmem:s25], [sflag:$0x3] =	stream.linear.gather [spmem:s19], $0x2000, $0x38;
	[tilespmem:$0x1BE00] =	vst v63  }
0x8a: {  	_ =	swait.ge [sflag:s24], $0x2000  }
0x8b: {  	[sflag:s24] =	ssyncset.done $0x0  }
0x8c: {  	[sflag:s24] =	ssyncadd.s32 $0xFFFFE000  }
0x8d: {  	[hbm4b:s20+s3] =	stream.linear.scatter [tilespmem:s25], [sflag:$0x3], $0x2000, $0x38;
	[tilespmem:$0x1BE00] =	vst v63  }
0x8e: {  	_ =	swait.ge [sflag:s24], $0x2000  }
0x8f: {  	[sflag:s24] =	ssyncset.done $0x0  }
0x90: {  	[sflag:s24] =	ssyncadd.s32 $0xFFFFE000  }
0x91: {  	[tilespmem:s25], [sflag:$0x3] =	stream.linear.gather [spmem:s21], $0x2000, $0x38;
	[tilespmem:$0x1BE00] =	vst v63  }
0x92: {  	s0 =	sadd.s32 $0x1, s0;
	_ =	swait.ge [sflag:s24], $0x2000  }
0x93: {  	p0 =	sne.s32 s0, s9;
	[sflag:s24] =	ssyncset.done $0x0  }
.Ltmp2:
0x94: {  	[sflag:s24] =	ssyncadd.s32 $0xFFFFE000;
	(pc) =	sbr.rel @p0 .LBB2_1-.Ltmp2, $4  }
0x95: {  	[hbm4b:s22+s3] =	stream.linear.scatter [tilespmem:s25], [sflag:$0x3], $0x2000, $0x38;
	[tilespmem:$0x1BE00] =	vst v63  }
0x96: {  	_ =	swait.ge [sflag:s24], $0x2000  }
0x97: {  	[sflag:s24] =	ssyncset.done $0x0  }
0x98: {  	[sflag:s24] =	ssyncadd.s32 $0xFFFFE000  }
0x99: {  	_ =	sfence.sel $0x180000  }
0x9a: {  	[bflag:$0x0] =	sbarrier.arrive $0xFFFF  }
0x9b: {  	_ =	strace $0x9000004A  }
0x9c: {  	s0 =	stileid.u32;
	[bflag:$0x2] =	sbarrier.arrive $0xFFFF  }
0x9d: {  	p0 =	sne.s32 s0, $0x0;
	s0 =	rddreg [dreg:$0x2]  }
0x9e: {  	s0 =	sadd.s32 @!p0 $0x100000, s0  }
0x9f: {  	[sflag:s0] =	ssyncadd.tile.s32 @!p0 $0x1;
	_ =	shalt  }
.Lfunc_end2:
_tile_overlayer_lowered:
.L_overlay_start_2:
0xa0: {  	(tag) =	ssettag $0x2  }
0xa1: {  	s0 =	rddreg [dreg:$0x0];
	s2 =	stileid.u32  }
0xa2: {  	s1 =	rddreg [dreg:$0x1];
	p0 =	sne.s32 s2, $0x0  }
0xa3: {  	s3 =	rddreg [dreg:$0x2];
	[bflag:$0x3] =	sbarrier.arrive $0xFFFF;
	s2 =	simm.s32 @!p0 $0x1C03  }
0xa4: {  	[timem:s3], [sflag:s2] =	dma.local @!p0 [hbm:s0], s1  }
0xa5: {  	s0 =	simm.s32 @!p0 $0x3  }
0xa6: {  	_ =	swait.ge @!p0 [sflag:s0], s1  }
0xa7: {  	s1 =	ssub.s32 @!p0 $0x0, s1;
	[sflag:s0] =	ssyncset.done @!p0 $0x0  }
0xa8: {  	[sflag:s0] =	ssyncadd.s32 @!p0 s1  }
0xa9: {  	[bflag:$0x3] =	sbarrier.arrive $0xFFFF  }
0xaa: {  	_ =	shalt  }

// kernel: kernel.4.cloned.1.call-start
scs
__scs_entry_jumppad:
0x0: {  	(pc) =	sbr.rel $0x88, $3  }
0x1: {  	(tag) =	ssettag $0x0;
	lr =	simm.s32 $0x1  }
0x2: {  	[smem:$0x3F9B] =	sst lr;
	_ =	strace $0xD0000000  }
0x3: {  	_ = 	snop  }
0x4: {  	_ = 	snop  }
0x5: {  	_ = 	snop  }
0x6: {  	_ = 	snop  }
0x7: {  	_ = 	snop  }
__scs_overlays_trampoline_lowered:
0x8: {  	[smem:$0x3FAA] =	sst s0  }
0x9: {  	[smem:$0x3FAB] =	sst s1  }
0xa: {  	[smem:$0x3FAC] =	sst s2  }
0xb: {  	[smem:$0x3FAD] =	sst s3  }
0xc: {  	[smem:$0x3FAE] =	sst s4  }
0xd: {  	[smem:$0x3FAF] =	sst s5  }
0xe: {  	[smem:$0x3FB0] =	sst s6  }
0xf: {  	[smem:$0x3FB1] =	sst s7  }
0x10: {  	[smem:$0x3FB2] =	sst s8  }
0x11: {  	[smem:$0x3FB3] =	sst s9;
	s0 =	simm.s32 @!p0 $0x0  }
0x12: {  	s1 =	sld [smem:$0x3F99];
	s0 =	simm.s32 @p0 $0x1  }
0x13: {  	[smem:$0x3FB4] =	sst s0;
	s0 =	simm.s32 @!p1 $0x0  }
0x14: {  	s2 =	sld [smem:$0x3F98];
	s0 =	simm.s32 @p1 $0x1  }
0x15: {  	[smem:$0x3FB5] =	sst s0;
	s0 =	simm.s32 @!p2 $0x0  }
0x16: {  	s3 =	sld [smem:$0x3FDB];
	s0 =	simm.s32 @p2 $0x1  }
0x17: {  	s4 =	simm.s32 $0x1BF5;
	[smem:$0x3FB7] =	sst s0  }
0x18: {  	s0 =	sld [smem:$0x3F9A];
	_ =	swait.ge [sflag:s4], $0x0  }
0x19: {  	s7 =	sld [smem:$0x3F9B]  }
0x1a: {  	s8 =	sadd.s32 $0xFFFFE003, lr  }
0x1b: {  	s9 =	sadd.s32 $0xFFFFFEF7, lr;
	s5 =	simm.s32 $0xFFFFFFFF;
	p2 =	slt.u32 s8, $0xFFFFF086  }
0x1c: {  	p1 =	slt.u32 s9, $0xF7A;
	s5 =	simm.s32 @!p2 $0x0  }
0x1d: {  	s5 =	simm.s32 @p1 $0x1;
	p0 =	seq.s32 s7, s2  }
0x1e: {  	s7 =	smul.u32 @!p0 $0xF7A, s2;
	p2 =	seq.s32 @!p0 s5, $0x0  }
0x1f: {  	s9 =	smul.u32 $0xF7A, s1;
	s8 =	simm.s32 @!p0 $0x1BF5;
	p2 =	por !p2, p0  }
0x20: {  	[sflag:s8] =	ssyncset.s32 @!p0 $0xFFFFF086;
	s6 =	sadd.s32 @!p0 s3, s7;
	s7 =	simm.s32 @!p0 $0x108  }
0x21: {  	s3 =	sadd.s32 s3, s9;
	s6 =	sadd.s32 @!p0 $0x88, s6;
	s7 =	simm.s32 @p2 $0x1082  }
0x22: {  	[simem:s7], [sflag:s8] =	dma.local @!p0 [hbm:s6], $0xF7A  }
0x23: {  	s9 =	sor.u32 $0xD0000000, s2;
	s6 =	simm.s32 $0x108;
	_ =	swait.ge @!p0 [sflag:s8], $0x0  }
0x24: {  	s3 =	sadd.s32 $0x88, s3;
	s6 =	simm.s32 @!p1 $0x1082;
	[sflag:s4] =	ssyncset.s32 $0xFFFFF086  }
0x25: {  	[simem:s6], [sflag:s4] =	dma.local [hbm:s3], $0xF7A  }
0x26: {  	[smem:$0x3F9B] =	sst s1;
	(tag) =	ssettag s2;
	_ =	strace s9  }
0x27: {  	s1 =	sld [smem:$0x3FAB]  }
0x28: {  	s2 =	sld [smem:$0x3FAC]  }
0x29: {  	s4 =	sld [smem:$0x3FAE]  }
0x2a: {  	p0 =	seq.s32 s5, $0x0;
	s5 =	sld [smem:$0x3FAF]  }
0x2b: {  	s6 =	sld [smem:$0x3FB0]  }
0x2c: {  	s7 =	sld [smem:$0x3FB1]  }
0x2d: {  	s3 =	simm.s32 $0x108;
	s8 =	sld [smem:$0x3FB2]  }
0x2e: {  	s3 =	simm.s32 @!p0 $0x1082;
	s9 =	sld [smem:$0x3FB3]  }
0x2f: {  	lr =	sadd.s32 s0, s3;
	s0 =	sld [smem:$0x3FAA]  }
0x30: {  	s3 =	sld [smem:$0x3FAD]  }
0x31: {  	[smem:$0x3FB6] =	sst s10  }
0x32: {  	s10 =	sld [smem:$0x3FB4];
	_ =	sdelay $0x3  }
0x33: {  	p0 =	seq.s32 s10, $0x1;
	s10 =	sld [smem:$0x3FB6];
	_ =	sdelay $0x3  }
0x34: {  	[smem:$0x3FB6] =	sst s10  }
0x35: {  	s10 =	sld [smem:$0x3FB5];
	_ =	sdelay $0x3  }
0x36: {  	p1 =	seq.s32 s10, $0x1;
	s10 =	sld [smem:$0x3FB6];
	_ =	sdelay $0x3  }
0x37: {  	[smem:$0x3FB6] =	sst s10  }
0x38: {  	s10 =	sld [smem:$0x3FB7]  }
0x39: {  	_ = 	snop;
	(pc) =	sbr.ind lr, $3  }
0x3a: {  	_ = 	snop  }
0x3b: {  	_ = 	snop  }
0x3c: {  	p2 =	seq.s32 s10, $0x1;
	s10 =	sld [smem:$0x3FB6]  }
0x3d: {  	_ =	shalt  }
0x3e: {  	_ =	shalt  }
0x3f: {  	_ =	shalt  }
0x40: {  	_ =	shalt  }
0x41: {  	_ =	shalt  }
0x42: {  	_ =	shalt  }
0x43: {  	_ =	shalt  }
0x44: {  	_ =	shalt  }
0x45: {  	_ =	shalt  }
0x46: {  	_ =	shalt  }
0x47: {  	_ =	shalt  }
0x48: {  	_ =	shalt  }
0x49: {  	_ =	shalt  }
0x4a: {  	_ =	shalt  }
0x4b: {  	_ =	shalt  }
0x4c: {  	_ =	shalt  }
0x4d: {  	_ =	shalt  }
0x4e: {  	_ =	shalt  }
0x4f: {  	_ =	shalt  }
0x50: {  	_ =	shalt  }
0x51: {  	_ =	shalt  }
0x52: {  	_ =	shalt  }
0x53: {  	_ =	shalt  }
0x54: {  	_ =	shalt  }
0x55: {  	_ =	shalt  }
0x56: {  	_ =	shalt  }
0x57: {  	_ =	shalt  }
0x58: {  	_ =	shalt  }
0x59: {  	_ =	shalt  }
0x5a: {  	_ =	shalt  }
0x5b: {  	_ =	shalt  }
0x5c: {  	_ =	shalt  }
0x5d: {  	_ =	shalt  }
0x5e: {  	_ =	shalt  }
0x5f: {  	_ =	shalt  }
0x60: {  	_ =	shalt  }
0x61: {  	_ =	shalt  }
0x62: {  	_ =	shalt  }
0x63: {  	_ =	shalt  }
0x64: {  	_ =	shalt  }
0x65: {  	_ =	shalt  }
0x66: {  	_ =	shalt  }
0x67: {  	_ =	shalt  }
0x68: {  	_ =	shalt  }
0x69: {  	_ =	shalt  }
0x6a: {  	_ =	shalt  }
0x6b: {  	_ =	shalt  }
0x6c: {  	_ =	shalt  }
0x6d: {  	_ =	shalt  }
0x6e: {  	_ =	shalt  }
0x6f: {  	_ =	shalt  }
0x70: {  	_ =	shalt  }
0x71: {  	_ =	shalt  }
0x72: {  	_ =	shalt  }
0x73: {  	_ =	shalt  }
0x74: {  	_ =	shalt  }
0x75: {  	_ =	shalt  }
0x76: {  	_ =	shalt  }
0x77: {  	_ =	shalt  }
0x78: {  	_ =	shalt  }
0x79: {  	_ =	shalt  }
0x7a: {  	_ =	shalt  }
0x7b: {  	_ =	shalt  }
0x7c: {  	_ =	shalt  }
0x7d: {  	_ =	shalt  }
0x7e: {  	_ =	shalt  }
0x7f: {  	_ =	shalt  }
0x80: {  	_ =	shalt  }
0x81: {  	_ =	shalt  }
0x82: {  	_ =	shalt  }
0x83: {  	_ =	shalt  }
0x84: {  	_ =	shalt  }
0x85: {  	_ =	shalt  }
0x86: {  	_ =	shalt  }
0x87: {  	_ =	shalt  }
.Lfunc_end0:
.L_simem_size_0:
called_computation.1_lowered:
.L_overlay_start_0:
0x88: {  	s2 =	sld [smem:$0x3FD9]  }
0x89: {  	s3 =	sld [smem:$0x3FFE];
	_ =	sdelay $0x1  }
0x8a: {  	s1 =	srdreg.scid  }
0x8b: {  	s0 =	sand.u32 $0x1, s1  }
0x8c: {  	s16 =	sshll.u32 s0, $0xA;
	s2 =	sadd.s32 s3, s2  }
0x8d: {  	s2 =	sadd.s32 s2, s16  }
0x8e: {  	[smem:$0x3FC2] =	sst s2  }
0x8f: {  	_ = 	snop  }
0x90: {  	(tm) =	ssettm $0x1  }
0x91: {  	s17 =	sld [smem:$0x3FFB];
	_ =	sdelay $0x3  }
0x92: {  	_ =	strace s17  }
0x93: {  	s2 =	sld [smem:$0x3FFC];
	_ =	sdelay $0x3  }
0x94: {  	_ =	strace s2  }
0x95: {  	s2 =	sld [smem:$0x3FFD];
	_ =	sdelay $0x3  }
0x96: {  	_ =	strace s2  }
0x97: {  	_ =	strace $0x8FFFFFFF  }
0x98: {  	s18 =	sld [smem:$0x3FDB];
	_ =	sdelay $0x1  }
0x99: {  	s19 =	simm.s32 $_scs_section_size  }
0x9a: {  	s4 =	simm.s32 $_size__tile_overlayer_lowered;
	s5 =	simm.s32 $_tile_overlayer_lowered  }
0x9b: {  	s22 =	simm.s32 $0x1BFF;
	s21 =	sshll.u32 s5, $0x1;
	s2 =	sadd.s32 s19, s18  }
0x9c: {  	s6 =	simm.s32 $0x0;
	s20 =	sshll.u32 s4, $0x1;
	s4 =	sadd.s32 s21, s2  }
0x9d: {  	[timem:s6], [sflag:s22] =	dma.local [hbm:s4], s20  }
0x9e: {  	_ =	swait.ge [sflag:s22], s20  }
0x9f: {  	s3 =	ssub.s32 $0x0, s20;
	[sflag:s22] =	ssyncset.done $0x0  }
0xa0: {  	[sflag:s22] =	ssyncadd.s32 s3;
	_ =	sdelay $0x1  }
0xa1: {  	s23 =	simm.s32 $0x1B8B  }
0xa2: {  	_ =	swait.ge [sflag:s23], $0x1  }
0xa3: {  	[sflag:s23] =	ssyncset.done $0x0  }
0xa4: {  	s25 =	simm.s32 $0x1B8E;
	s24 =	sld [smem:$0x3FFE];
	[sflag:s23] =	ssyncadd.s32 $0xFFFFFFFF  }
0xa5: {  	s26 =	simm.s32 $execute0_lowered;
	[smem:$0x3FD2] =	sst s25  }
0xa6: {  	s4 =	sshll.u32 s26, $0x1;
	_ =	strace $0x80000046;
	[dreg:$0x1] =	wrdreg $0xFFFFFFFF  }
0xa7: {  	s28 =	simm.s32 $_size_execute0_lowered;
	s2 =	sadd.s32 s2, s4;
	[dreg:$0x0] =	wrdreg $0x0  }
0xa8: {  	s4 =	sshll.u32 s28, $0x1;
	[dreg:$0x2] =	wrdreg s2  }
0xa9: {  	[dreg:$0x3] =	wrdreg s4  }
0xaa: {  	[dreg:$0x4] =	wrdreg $0xC0  }
0xab: {  	_ =	task [dreg:s6], $0x5FFFF  }
0xac: {  	[dreg:$0x1] =	wrdreg $0xFFFFFFFF  }
0xad: {  	[dreg:$0x0] =	wrdreg $0x60  }
0xae: {  	[dreg:$0x2] =	wrdreg s24  }
0xaf: {  	[dreg:$0x3] =	wrdreg $0xB6000  }
0xb0: {  	[dreg:$0x4] =	wrdreg $0x9  }
0xb1: {  	_ =	task.clear_ibuf [dreg:s6], $0x5FFFF;
	_ =	strace $0x90000046  }
0xb2: {  	s29 =	simm.s32 $0x9;
	_ =	strace $0x80000048  }
0xb3: {  	_ =	swait.ge [sflag:s29], $0x1  }
0xb4: {  	[sflag:s29] =	ssyncadd.s32 $0xFFFFFFFF  }
0xb5: {  	_ =	strace $0x90000048  }
0xb6: {  	_ =	sfence  }
0xb7: {  	s30 =	sld [smem:$0x0];
	_ =	sdelay $0x2  }
0xb8: {  	s31 =	sshll.u32 s1, $0xD;
	s1 =	sshrl.u32 s1, $0x2  }
0xb9: {  	s3 =	sand.u32 $0x4000, s31;
	s1 =	sadd.s32 s1, s30  }
0xba: {  	s0 =	sor.u32 s3, s0;
	s1 =	sshll.u32 s1, $0x11  }
0xbb: {  	s0 =	sor.u32 s1, s0  }
0xbc: {  	s0 =	sadd.s32 $0x8F2B, s0  }
0xbd: {  	[sflag:s0] =	ssyncadd.remote.s32 $0x1  }
0xbe: {  	_ =	sfence.sel $0xFFFF  }
0xbf: {  	[dreg:$0x0] =	wrdreg $0xFFFFFFFF;
	(pc) =	sbr.abs _section_cstart, $3  }
0xc0: {  	[dreg:$0x1] =	wrdreg $0xFFFFFFFF  }
0xc1: {  	_ =	task.clear_ibuf [dreg:s6], $0x2FFFF;
	_ =	strace $0x9FFFFFFF  }
0xc2: {  	(tm) =	ssettm $0x7FFFFFFF  }
0xc3: {  	_ =	shalt  }
tec
execute0_lowered:
.L_overlay_start_1:
0x0: {  	(tag) =	ssettag $0x1  }
0x1: {  	s4 =	rddreg [dreg:$0x0]  }
0x2: {  	s2 =	rddreg [dreg:$0x1]  }
0x3: {  	s1 =	stileid.u32;
	s5 =	srdreg.scid;
	s3 =	simm.s32 $0x0  }
0x4: {  	s24 =	simm.s32 $0x4F00;
	s25 =	simm.s32 $0x80;
	s28 =	simm.s32 $0xAE00  }
0x5: {  	s29 =	simm.s32 $0x0;
	s6 =	smul.u32 $0x9E0, s1;
	s7 =	sand.u32 $0x1, s5  }
0x6: {  	[smem:$0x7FF] =	sst s3;
	s8 =	smul.u32 $0xA000, s1;
	s21 =	sadd.s32 $0x15400, s4  }
0x7: {  	s17 =	smul.u32 $0x2800, s1;
	s5 =	ssub.s32 $0x2, s7;
	_ =	strace $0x80000047  }
0x8: {  	p0 =	seq.s32 s7, $0x1;
	s18 =	smul.u32 $0x28000, s7;
	s6 =	sadd.s32 s6, s4  }
0x9: {  	s9 =	sshrl.u32 s5, $0x1;
	s26 =	sshrl.u32 s8, $0x2;
	s7 =	sadd.s32 s17, s2  }
0xa: {  	s14 =	sadd.s32 $0x800, s17;
	s19 =	sadd.s32 $0x1000, s17;
	s20 =	sadd.s32 $0x1800, s17  }
0xb: {  	s23 =	sadd.s32 $0x2000, s17;
	s9 =	ssub.s32 s5, s9;
	s4 =	sadd.s32 s26, s2  }
0xc: {  	s5 =	sadd.s32 $0xB600, s6;
	s6 =	sadd.s32 $0x1800, s6;
	s12 =	sadd.s32 s18, s17  }
0xd: {  	s15 =	sadd.s32 s18, s14;
	s14 =	sadd.s32 s14, s2;
	s16 =	sadd.s32 s19, s2  }
0xe: {  	s19 =	sadd.s32 s18, s19;
	s22 =	sadd.s32 s18, s20;
	s31 =	sadd.s32 s18, s23  }
0xf: {  	s18 =	sadd.s32 s20, s2;
	s20 =	sadd.s32 s23, s2;
	s23 =	simm.s32 $0x1  }
0x10: {  	s26 =	simm.s32 $0x9E00;
	s8 =	smax.u32 s9, $0x1;
	s9 =	sadd.s32 $0x800, s4  }
.Ltmp0:
0x11: {  	s10 =	sadd.s32 $0x1000, s4;
	s11 =	sadd.s32 $0x1800, s4;
	(pc) =	sbr.rel .LBB2_1-.Ltmp0, $4  }
0x12: {  	s13 =	sshrl.u32 s12, $0x3;
	s12 =	sadd.s32 $0x2000, s4;
	s15 =	sshrl.u32 s15, $0x3  }
0x13: {  	s19 =	sshrl.u32 s19, $0x3;
	s30 =	sshrl.u32 s22, $0x3;
	s22 =	sshrl.u32 s31, $0x3  }
0x14: {  	s13 =	sadd.s32 s21, s13;
	s15 =	sadd.s32 s21, s15;
	s17 =	sadd.s32 s21, s19  }
0x15: {  	v0 =	vimm.f32 $1.000000000e+00;
	v1 =	vimm.f32 $0.0e+00;
	s19 =	sadd.s32 s21, s30;
	s21 =	sadd.s32 s21, s22;
	s22 =	simm.s32 $0xA600  }
.LBB2_6:
0x16: {  	[sflag:s23] =	ssyncset.done $0x0  }
0x17: {  	[sflag:s23] =	ssyncadd.s32 $0xFFFFF800  }
.LBB2_10:
0x18: {  	[bflag:$0x0] =	sbarrier.arrive $0xFFFF  }
0x19: {  	[tilespmem:s28], [sflag:$0x1] =	stream.linear.gather [spmem:s7], $0x800, $0x38;
	[tilespmem:$0xDE00] =	vst v63  }
0x1a: {  	_ =	swait.ge [sflag:s23], $0x800  }
0x1b: {  	[sflag:s23] =	ssyncset.done $0x0  }
0x1c: {  	[sflag:s23] =	ssyncadd.s32 $0xFFFFF800  }
0x1d: {  	[hbm4b:s13+s3] =	stream.linear.scatter [tilespmem:s28], [sflag:$0x1], $0x800, $0x38;
	[tilespmem:$0xDE00] =	vst v63  }
0x1e: {  	_ =	swait.ge [sflag:s23], $0x800  }
0x1f: {  	[sflag:s23] =	ssyncset.done $0x0  }
0x20: {  	[sflag:s23] =	ssyncadd.s32 $0xFFFFF800  }
0x21: {  	[tilespmem:s28], [sflag:$0x1] =	stream.linear.gather [spmem:s14], $0x800, $0x38;
	[tilespmem:$0xDE00] =	vst v63  }
0x22: {  	_ =	swait.ge [sflag:s23], $0x800  }
0x23: {  	[sflag:s23] =	ssyncset.done $0x0  }
0x24: {  	[sflag:s23] =	ssyncadd.s32 $0xFFFFF800  }
0x25: {  	[hbm4b:s15+s3] =	stream.linear.scatter [tilespmem:s28], [sflag:$0x1], $0x800, $0x38;
	[tilespmem:$0xDE00] =	vst v63  }
0x26: {  	_ =	swait.ge [sflag:s23], $0x800  }
0x27: {  	[sflag:s23] =	ssyncset.done $0x0  }
0x28: {  	[sflag:s23] =	ssyncadd.s32 $0xFFFFF800  }
0x29: {  	[tilespmem:s28], [sflag:$0x1] =	stream.linear.gather [spmem:s16], $0x800, $0x38;
	[tilespmem:$0xDE00] =	vst v63  }
0x2a: {  	_ =	swait.ge [sflag:s23], $0x800  }
0x2b: {  	[sflag:s23] =	ssyncset.done $0x0  }
0x2c: {  	[sflag:s23] =	ssyncadd.s32 $0xFFFFF800  }
0x2d: {  	[hbm4b:s17+s3] =	stream.linear.scatter [tilespmem:s28], [sflag:$0x1], $0x800, $0x38;
	[tilespmem:$0xDE00] =	vst v63  }
0x2e: {  	_ =	swait.ge [sflag:s23], $0x800  }
0x2f: {  	[sflag:s23] =	ssyncset.done $0x0  }
0x30: {  	[sflag:s23] =	ssyncadd.s32 $0xFFFFF800  }
0x31: {  	[tilespmem:s28], [sflag:$0x1] =	stream.linear.gather [spmem:s18], $0x800, $0x38;
	[tilespmem:$0xDE00] =	vst v63  }
0x32: {  	_ =	swait.ge [sflag:s23], $0x800  }
0x33: {  	[sflag:s23] =	ssyncset.done $0x0  }
0x34: {  	[sflag:s23] =	ssyncadd.s32 $0xFFFFF800  }
0x35: {  	[hbm4b:s19+s3] =	stream.linear.scatter [tilespmem:s28], [sflag:$0x1], $0x800, $0x38;
	[tilespmem:$0xDE00] =	vst v63  }
0x36: {  	_ =	swait.ge [sflag:s23], $0x800  }
0x37: {  	[sflag:s23] =	ssyncset.done $0x0  }
0x38: {  	[sflag:s23] =	ssyncadd.s32 $0xFFFFF800  }
0x39: {  	[tilespmem:s28], [sflag:$0x1] =	stream.linear.gather [spmem:s20], $0x800, $0x38;
	[tilespmem:$0xDE00] =	vst v63  }
0x3a: {  	s29 =	sadd.s32 $0x1, s29;
	_ =	swait.ge [sflag:s23], $0x800  }
0x3b: {  	p1 =	sne.s32 s29, s8;
	[sflag:s23] =	ssyncset.done $0x0  }
.Ltmp1:
0x3c: {  	[sflag:s23] =	ssyncadd.s32 $0xFFFFF800;
	(pc) =	sbr.rel @!p1 .LBB2_11-.Ltmp1, $4  }
0x3d: {  	[hbm4b:s21+s3] =	stream.linear.scatter [tilespmem:s28], [sflag:$0x1], $0x800, $0x38;
	[tilespmem:$0xDE00] =	vst v63  }
0x3e: {  	_ =	swait.ge [sflag:s23], $0x800  }
0x3f: {  	[sflag:s23] =	ssyncset.done $0x0  }
0x40: {  	[sflag:s23] =	ssyncadd.s32 $0xFFFFF800  }
.LBB2_1:
0x41: {  	s30 =	simm.s32 $0x40;
	s31 =	simm.s32 $0x0  }
.LBB2_2:
0x42: {  	p1 =	sne.s32 s30, $0x1FC0;
	[tilespmem:s31+$0x9E00] =	vst v0;
	s0 =	smov.u32 s30;
	s30 =	sadd.s32 $0x40, s30  }
.Ltmp2:
0x43: {  	[tilespmem:s31+$0xA600] =	vst v1;
	(pc) =	sbr.rel @p1 .LBB2_2-.Ltmp2, $2  }
0x44: {  	_ =	sdelay $0x2  }
0x45: {  	s31 =	sshra.s32 s0, $0x2  }
0x46: {  	[tilespmem:s31+$0x9E00] =	vst v0  }
0x47: {  	[tilespmem:s31+$0xA600] =	vst v1  }
0x48: {  	[spmem:s4] =	stream.linear.scatter [tilespmem:s22], [sflag:$0x1], $0x800, $0x38;
	[tilespmem:$0xDE00] =	vst v63  }
0x49: {  	_ =	swait.ge [sflag:s23], $0x800  }
0x4a: {  	[sflag:s23] =	ssyncset.done $0x0  }
0x4b: {  	[sflag:s23] =	ssyncadd.s32 $0xFFFFF800  }
0x4c: {  	[spmem:s9] =	stream.linear.scatter [tilespmem:s22], [sflag:$0x1], $0x800, $0x38;
	[tilespmem:$0xDE00] =	vst v63  }
0x4d: {  	_ =	swait.ge [sflag:s23], $0x800  }
0x4e: {  	[sflag:s23] =	ssyncset.done $0x0  }
0x4f: {  	[sflag:s23] =	ssyncadd.s32 $0xFFFFF800  }
0x50: {  	[spmem:s10] =	stream.linear.scatter [tilespmem:s22], [sflag:$0x1], $0x800, $0x38;
	[tilespmem:$0xDE00] =	vst v63  }
0x51: {  	_ =	swait.ge [sflag:s23], $0x800  }
0x52: {  	[sflag:s23] =	ssyncset.done $0x0  }
0x53: {  	[sflag:s23] =	ssyncadd.s32 $0xFFFFF800  }
0x54: {  	[spmem:s11] =	stream.linear.scatter [tilespmem:s22], [sflag:$0x1], $0x800, $0x38;
	[tilespmem:$0xDE00] =	vst v63  }
0x55: {  	_ =	swait.ge [sflag:s23], $0x800  }
0x56: {  	[sflag:s23] =	ssyncset.done $0x0  }
0x57: {  	[sflag:s23] =	ssyncadd.s32 $0xFFFFF800  }
0x58: {  	[spmem:s12] =	stream.linear.scatter [tilespmem:s22], [sflag:$0x1], $0x800, $0x38;
	[tilespmem:$0xDE00] =	vst v63  }
0x59: {  	_ =	swait.ge [sflag:s23], $0x800  }
0x5a: {  	[sflag:s23] =	ssyncset.done $0x0  }
0x5b: {  	s30 =	simm.s32 $0x0;
	[sflag:s23] =	ssyncadd.s32 $0xFFFFF800  }
0x5c: {  	[tilespmem:s30], [sflag:$0x1] =	stream.linear.gather [hbm4b:s5+s30], $0x4F00, $0x38;
	[tilespmem:$0xDE00] =	vst v63  }
0x5d: {  	_ =	swait.ge [sflag:s23], $0x4F00  }
0x5e: {  	[sflag:s23] =	ssyncset.done $0x0  }
0x5f: {  	[sflag:s23] =	ssyncadd.s32 $0xFFFFB100  }
0x60: {  	[tilespmem:s24], [sflag:$0x1] =	stream.linear.gather [hbm4b:s6+s30], $0x4F00, $0x38;
	[tilespmem:$0xDE00] =	vst v63  }
.Ltmp3:
0x61: {  	_ =	swait.ge [sflag:s23], $0x4F00;
	(pc) =	sbr.rel @!p0 .LBB2_4-.Ltmp3, $4  }
0x62: {  	[sflag:s23] =	ssyncset.done $0x0  }
0x63: {  	[sflag:s23] =	ssyncadd.s32 $0xFFFFB100  }
0x64: {  	[bflag:$0x0] =	sbarrier.arrive $0xFFFF  }
0x65: {  	s0 =	sshra.s32 s30, $0x2  }
0x66: {  	[spmem:s2] =	stream.indirect.scatter.add.f32 [tilespmem:s26], [sflag:$0x1], $0x10, s0, s25, $0xb8;
	[tilespmem:$0xDE00] =	vst v63  }
0x67: {  	_ =	swait.ge [sflag:s23], $0x800  }
0x68: {  	s30 =	sadd.s32 $0x200, s30;
	[sflag:s23] =	ssyncset.done $0x0  }
.LBB2_8:
0x69: {  	s0 =	sshra.s32 s30, $0x2;
	[sflag:s23] =	ssyncadd.s32 $0xFFFFF800;
	p1 =	sne.s32 s30, $0x13A00  }
0x6a: {  	[spmem:s2] =	stream.indirect.scatter.add.f32 [tilespmem:s26], [sflag:$0x1], $0x10, s0, s25, $0xb8;
	[tilespmem:$0xDE00] =	vst v63  }
.Ltmp4:
0x6b: {  	_ = 	snop;
	(pc) =	sbr.rel @p1 .LBB2_8-.Ltmp4, $4  }
0x6c: {  	_ = 	snop  }
0x6d: {  	s30 =	sadd.s32 $0x200, s30  }
0x6e: {  	_ =	swait.ge [sflag:s23], $0x800  }
0x6f: {  	[sflag:s23] =	ssyncset.done $0x0  }
.Ltmp5:
0x70: {  	(pc) =	sbr.rel .LBB2_10-.Ltmp5, $2  }
0x71: {  	_ =	sdelay $0x2  }
0x72: {  	[sflag:s23] =	ssyncadd.s32 $0xFFFFF800  }
.LBB2_4:
0x73: {  	s0 =	sadd.s32 $0x4F00, s0  }
0x74: {  	[spmem:s2] =	stream.indirect.scatter.add.f32 [tilespmem:s26], [sflag:$0x1], $0x10, s0, s25, $0xb8;
	[tilespmem:$0xDE00] =	vst v63  }
0x75: {  	s30 =	sadd.s32 $0x200, s30;
	_ =	swait.ge [sflag:s23], $0x800  }
.LBB2_5:
0x76: {  	s0 =	sshra.s32 s30, $0x2;
	[sflag:s23] =	ssyncset.done $0x0;
	p1 =	seq.s32 s30, $0x13A00  }
.Ltmp6:
0x77: {  	s0 =	sadd.s32 $0x4F00, s0;
	[sflag:s23] =	ssyncadd.s32 $0xFFFFF800;
	(pc) =	sbr.rel @!p1 .LBB2_5-.Ltmp6, $3  }
0x78: {  	[spmem:s2] =	stream.indirect.scatter.add.f32 [tilespmem:s26], [sflag:$0x1], $0x10, s0, s25, $0xb8;
	[tilespmem:$0xDE00] =	vst v63  }
0x79: {  	s30 =	sadd.s32 $0x200, s30;
	_ =	sdelay $0x1  }
0x7a: {  	_ =	swait.ge [sflag:s23], $0x800  }
.Ltmp7:
0x7b: {  	_ = 	snop;
	(pc) =	sbr.rel .LBB2_6-.Ltmp7, $1  }
0x7c: {  	_ =	sdelay $0x3  }
.LBB2_11:
0x7d: {  	_ =	sfence.sel $0x180000  }
0x7e: {  	[bflag:$0x0] =	sbarrier.arrive $0xFFFF  }
0x7f: {  	_ =	strace $0x90000047  }
0x80: {  	[bflag:$0x2] =	sbarrier.arrive $0xFFFF  }
0x81: {  	p0 =	sne.s32 s1, $0x0;
	s0 =	rddreg [dreg:$0x2]  }
0x82: {  	s0 =	sadd.s32 @!p0 $0x100000, s0  }
0x83: {  	[sflag:s0] =	ssyncadd.tile.s32 @!p0 $0x1;
	_ =	shalt  }
.Lfunc_end2:
_tile_overlayer_lowered:
.L_overlay_start_2:
0x84: {  	(tag) =	ssettag $0x2  }
0x85: {  	s0 =	rddreg [dreg:$0x0];
	s2 =	stileid.u32  }
0x86: {  	s1 =	rddreg [dreg:$0x1];
	p0 =	sne.s32 s2, $0x0  }
0x87: {  	s3 =	rddreg [dreg:$0x2];
	[bflag:$0x3] =	sbarrier.arrive $0xFFFF;
	s2 =	simm.s32 @!p0 $0x1C01  }
0x88: {  	[timem:s3], [sflag:s2] =	dma.local @!p0 [hbm:s0], s1  }
0x89: {  	s0 =	simm.s32 @!p0 $0x1  }
0x8a: {  	_ =	swait.ge @!p0 [sflag:s0], s1  }
0x8b: {  	s1 =	ssub.s32 @!p0 $0x0, s1;
	[sflag:s0] =	ssyncset.done @!p0 $0x0  }
0x8c: {  	[sflag:s0] =	ssyncadd.s32 @!p0 s1  }
0x8d: {  	[bflag:$0x3] =	sbarrier.arrive $0xFFFF  }
0x8e: {  	_ =	shalt  }

</sc_bundles>
